<compile_context>
chip_gen: v7x
topology: tpu7x:2x2x1
jax: 0.10.2.dev20260603
libtpu: 0.0.44.dev20260713+nightly
codegen_flags: <defaults>
</compile_context>

<pallas_src>
import functools

import jax
import jax.numpy as jnp
from jax.experimental import pallas as pl
from jax.experimental.pallas import tpu as pltpu
from jax.experimental.pallas import tpu_sc as plsc

CAP = 100000
FDIM = 128
BATCH = 4096
ROWS = 10000
NBLK = CAP // ROWS
PAD = BATCH + 2 * ROWS

LW = 4000
NWORK = CAP // LW
_SC_LANES = 16


def _enqueue_kernel(scal_ref, vl_ref, q_ref, oq_ref, vs_ref):
    b = pl.program_id(0)
    s = b * ROWS
    p = scal_ref[0]

    @pl.when(b == 0)
    def _():
        vs_ref[pl.ds(ROWS, BATCH), :] = vl_ref[...]

    c0 = s - p
    c0 = jnp.where(c0 < 0, c0 + CAP, c0)
    has = (c0 < BATCH) | (c0 >= CAP - ROWS)

    @pl.when(has)
    def _():
        rows = jax.lax.broadcasted_iota(jnp.int32, (ROWS, 1), 0) + s
        m = rows - p
        m = jnp.where(m < 0, m + CAP, m)
        in_win = m < BATCH
        c = jnp.where(c0 >= CAP - ROWS, c0 - CAP, c0)
        o = jnp.clip(c + ROWS, 0, BATCH + ROWS)
        oq_ref[...] = jnp.where(in_win, vs_ref[pl.ds(o, ROWS), :], q_ref[...])

    @pl.when(jnp.logical_not(has))
    def _():
        oq_ref[...] = q_ref[...]


def _enqueue(experience_queue, vl_feat, scal):
    grid_spec = pltpu.PrefetchScalarGridSpec(
        num_scalar_prefetch=1,
        grid=(NBLK,),
        in_specs=[
            pl.BlockSpec((BATCH, FDIM), lambda b, sp: (0, 0)),
            pl.BlockSpec((ROWS, FDIM), lambda b, sp: (b, 0)),
        ],
        out_specs=pl.BlockSpec((ROWS, FDIM), lambda b, sp: (b, 0)),
        scratch_shapes=[pltpu.VMEM((PAD, FDIM), jnp.float32)],
    )
    return pl.pallas_call(
        _enqueue_kernel,
        grid_spec=grid_spec,
        compiler_params=pltpu.CompilerParams(
            dimension_semantics=("arbitrary",),
        ),
        out_shape=jax.ShapeDtypeStruct((CAP, FDIM), jnp.float32),
    )(scal, vl_feat, experience_queue)


GRAN = 160
NPIECE = BATCH // GRAN + 2
SH = NPIECE * GRAN + GRAN


def _label_sc_kernel(ql_hbm, sh_hbm, pv_hbm, out_hbm, buf_v, sh_v, p_v):
    wid = jax.lax.axis_index("s") * 2 + jax.lax.axis_index("c")

    @pl.when(wid < NWORK)
    def _():
        base = wid * LW
        pltpu.sync_copy(ql_hbm.at[pl.ds(base, LW)], buf_v)
        pltpu.sync_copy(sh_hbm, sh_v)
        pltpu.sync_copy(pv_hbm, p_v)
        pltpu.sync_copy(buf_v, out_hbm.at[pl.ds(base, LW)])
        pa = pl.multiple_of(p_v[...][0], GRAN)
        lo = base
        hi = base + LW
        for i in range(NPIECE):
            d = pa + i * GRAN
            d = jnp.where(d >= CAP, d - CAP, d)

            @pl.when((d >= lo) & (d < hi))
            def _(i=i, d=d):
                pltpu.sync_copy(
                    sh_v.at[pl.ds(i * GRAN, GRAN)], out_hbm.at[pl.ds(d, GRAN)]
                )


_label_sc = functools.partial(
    pl.kernel,
    mesh=plsc.VectorSubcoreMesh(core_axis_name="c", subcore_axis_name="s"),
    out_type=jax.ShapeDtypeStruct((CAP,), jnp.float32),
    scratch_types=[
        pltpu.VMEM((LW,), jnp.float32),
        pltpu.VMEM((SH,), jnp.float32),
        pltpu.VMEM((_SC_LANES,), jnp.int32),
    ],
)(_label_sc_kernel)


def kernel(experience_queue, exp_label_queue, vl_feat, label, ptr):
    p = jnp.asarray(ptr, dtype=jnp.int32)
    scal = jnp.stack([p])
    a = p % GRAN
    pa = p - a
    ql_flat = exp_label_queue.reshape(CAP)
    lab_flat = label.reshape(BATCH)
    front = jax.lax.dynamic_slice(ql_flat, (pa,), (GRAN,))
    tail_idx = (p + BATCH + jnp.arange(2 * GRAN - BATCH % GRAN, dtype=jnp.int32)) % CAP
    tail = ql_flat[tail_idx]
    sh = jnp.zeros((SH,), jnp.float32)
    sh = jax.lax.dynamic_update_slice(sh, front, (jnp.int32(0),))
    sh = jax.lax.dynamic_update_slice(sh, lab_flat, (a,))
    sh = jax.lax.dynamic_update_slice(sh, tail, (a + BATCH,))
    p_vec = jnp.full((_SC_LANES,), pa, dtype=jnp.int32)
    new_labels = _label_sc(ql_flat, sh, p_vec).reshape(CAP, 1)
    new_queue = _enqueue(experience_queue, vl_feat, scal)
    new_ptr = (p + BATCH) % CAP
    is_full = jnp.where(new_ptr < p, 1, 0).astype(jnp.int64)
    is_empty = jnp.where(BATCH > 0, 0, 1).astype(jnp.int64)
    return new_queue, new_labels, jnp.asarray(new_ptr, dtype=jnp.int64), is_full, is_empty

# --- scband reference (transcript-rebuilt; emitter-appended) ---
"""Pipeline reference for scband-lpebuffer-82712480186778 (READ-ONLY COPY).

The authoritative reference and input builder live on the scoring server;
editing this copy changes nothing except your own understanding.
"""

import jax, jax.numpy as jnp
import numpy as np

CAPACITY = 100000
FEATURE_DIM = 128
BATCH = 4096
PTR_INIT = 98000


def setup_inputs(seed: int = 0) -> dict:
    key = jax.random.key(seed)
    k1, k2, k3 = jax.random.split(key, 3)
    experience_queue = jax.random.normal(k1, (CAPACITY, FEATURE_DIM), dtype=jnp.float32)
    exp_label_queue = jnp.zeros((CAPACITY, 1), dtype=jnp.float32)
    vl_feat = jax.random.normal(k2, (BATCH, FEATURE_DIM), dtype=jnp.float32)
    label = jax.random.normal(k3, (BATCH, 1), dtype=jnp.float32)
    return {
        "experience_queue": experience_queue,
        "exp_label_queue": exp_label_queue,
        "vl_feat": vl_feat,
        "label": label,
        "ptr": PTR_INIT,
    }


def reference(experience_queue, exp_label_queue, vl_feat, label, ptr):
    # Faithful JAX translation of LPEBuffer.exp_dequeue_and_enqueue
    # (non-distributed path: vl_feats = vl_feat, labels = label).
    capacity = experience_queue.shape[0]
    batch_size = vl_feat.shape[0]
    # Circular-buffer scatter-overwrite. The torch code does two slice
    # assignments (tail then wrapped head); equivalently, write each row i of
    # the batch to row (ptr + i) % capacity of the queue.
    idx = (ptr + jnp.arange(batch_size)) % capacity
    new_queue = experience_queue.at[idx].set(vl_feat)
    new_labels = exp_label_queue.at[idx].set(label)
    pre_ptr = ptr
    new_ptr = (ptr + batch_size) % capacity
    is_full = jnp.where(jnp.asarray(new_ptr) < jnp.asarray(pre_ptr), 1, 0).astype(jnp.int64)
    is_empty = jnp.where(batch_size > 0, 0, 1).astype(jnp.int64)
    return new_queue, new_labels, jnp.asarray(new_ptr, dtype=jnp.int64), is_full, is_empty

if __name__ == "__main__":
    import jax
    _d = setup_inputs()
    print(jax.jit(kernel)(*tuple(_d.values())))

</pallas_src>

<mosaic_0001>
#map = affine_map<(d0, d1) -> (0)>
module attributes {stable_mosaic.version = 14 : i64} {
  func.func @_label_sc_kernel(%arg0: i32, %arg1: i32, %arg2: memref<100000xf32, #tpu.memory_space<hbm>>, %arg3: memref<4480xf32, #tpu.memory_space<hbm>>, %arg4: memref<16xi32, #tpu.memory_space<hbm>>, %arg5: memref<100000xf32, #tpu.memory_space<hbm>>, %arg6: memref<4000xf32, #tpu.memory_space<vmem>>, %arg7: memref<4480xf32, #tpu.memory_space<vmem>>, %arg8: memref<16xi32, #tpu.memory_space<vmem>>) attributes {dimension_semantics = [#tpu.dimension_semantics<core_parallel>, #tpu.dimension_semantics<subcore_parallel>], iteration_bounds = array<i64: 2, 16>, scalar_prefetch = 0 : i64, scratch_operands = 3 : i64, tpu.core_type = #tpu.core_type<sc_vector_subcore>, window_params = [{transform_indices = #map}, {transform_indices = #map}, {transform_indices = #map}, {transform_indices = #map}]} {
    %mul3A = arith.constant 2 : i32
    %mul3A_0 = arith.muli %arg1, %mul3A : i32
    %add3A = arith.addi %mul3A_0, %arg0 : i32
    %lt3A = arith.constant 25 : i32
    %lt3A_1 = arith.cmpi slt, %add3A, %lt3A : i32
    %convert_element_type3A = arith.extui %lt3A_1 : i1 to i32
    %cond3A = arith.constant 0 : i32
    %cond3A_2 = arith.cmpi ne, %convert_element_type3A, %cond3A : i32
    scf.if %cond3A_2 {
      %mul3A_3 = arith.constant 4000 : i32
      %mul3A_4 = arith.muli %add3A, %mul3A_3 : i32
      "tpu.region"() ({
        %run_scoped3A = tpu.sem_alloc : memref<!tpu.dma_semaphore, #tpu.memory_space<semaphore_mem>>
        %dma_start3A = tpu.memref_slice %arg2[%mul3A_4] : memref<100000xf32, #tpu.memory_space<hbm>> -> memref<4000xf32, #tpu.memory_space<hbm>>
        %dma_start3A_356 = tpu.memref_slice %arg2[%mul3A_4] : memref<100000xf32, #tpu.memory_space<hbm>> -> memref<4000xf32, #tpu.memory_space<hbm>>
        tpu.enqueue_dma source(%dma_start3A_356 : memref<4000xf32, #tpu.memory_space<hbm>>) target(%arg6 : memref<4000xf32, #tpu.memory_space<vmem>>) target_semaphore(%run_scoped3A : memref<!tpu.dma_semaphore, #tpu.memory_space<semaphore_mem>>)
        %dma_wait3A = tpu.memref_slice %arg2[%mul3A_4] : memref<100000xf32, #tpu.memory_space<hbm>> -> memref<4000xf32, #tpu.memory_space<hbm>>
        %dma_wait3A_357 = tpu.memref_slice %arg2[%mul3A_4] : memref<100000xf32, #tpu.memory_space<hbm>> -> memref<4000xf32, #tpu.memory_space<hbm>>
        tpu.wait_dma2 semaphore(%run_scoped3A : memref<!tpu.dma_semaphore, #tpu.memory_space<semaphore_mem>>) src(%dma_wait3A_357 : memref<4000xf32, #tpu.memory_space<hbm>>) dst(%arg6 : memref<4000xf32, #tpu.memory_space<vmem>>)
        tpu.yield
      }) : () -> ()
      "tpu.region"() ({
        %run_scoped3A = tpu.sem_alloc : memref<!tpu.dma_semaphore, #tpu.memory_space<semaphore_mem>>
        tpu.enqueue_dma source(%arg3 : memref<4480xf32, #tpu.memory_space<hbm>>) target(%arg7 : memref<4480xf32, #tpu.memory_space<vmem>>) target_semaphore(%run_scoped3A : memref<!tpu.dma_semaphore, #tpu.memory_space<semaphore_mem>>)
        tpu.wait_dma2 semaphore(%run_scoped3A : memref<!tpu.dma_semaphore, #tpu.memory_space<semaphore_mem>>) src(%arg3 : memref<4480xf32, #tpu.memory_space<hbm>>) dst(%arg7 : memref<4480xf32, #tpu.memory_space<vmem>>)
        tpu.yield
      }) : () -> ()
      "tpu.region"() ({
        %run_scoped3A = tpu.sem_alloc : memref<!tpu.dma_semaphore, #tpu.memory_space<semaphore_mem>>
        tpu.enqueue_dma source(%arg4 : memref<16xi32, #tpu.memory_space<hbm>>) target(%arg8 : memref<16xi32, #tpu.memory_space<vmem>>) target_semaphore(%run_scoped3A : memref<!tpu.dma_semaphore, #tpu.memory_space<semaphore_mem>>)
        tpu.wait_dma2 semaphore(%run_scoped3A : memref<!tpu.dma_semaphore, #tpu.memory_space<semaphore_mem>>) src(%arg4 : memref<16xi32, #tpu.memory_space<hbm>>) dst(%arg8 : memref<16xi32, #tpu.memory_space<vmem>>)
        tpu.yield
      }) : () -> ()
      "tpu.region"() ({
        %run_scoped3A = tpu.sem_alloc : memref<!tpu.dma_semaphore, #tpu.memory_space<semaphore_mem>>
        %dma_start3A = tpu.memref_slice %arg5[%mul3A_4] : memref<100000xf32, #tpu.memory_space<hbm>> -> memref<4000xf32, #tpu.memory_space<hbm>>
        %dma_start3A_356 = tpu.memref_slice %arg5[%mul3A_4] : memref<100000xf32, #tpu.memory_space<hbm>> -> memref<4000xf32, #tpu.memory_space<hbm>>
        tpu.enqueue_dma source(%arg6 : memref<4000xf32, #tpu.memory_space<vmem>>) target(%dma_start3A_356 : memref<4000xf32, #tpu.memory_space<hbm>>) target_semaphore(%run_scoped3A : memref<!tpu.dma_semaphore, #tpu.memory_space<semaphore_mem>>)
        %dma_wait3A = tpu.memref_slice %arg5[%mul3A_4] : memref<100000xf32, #tpu.memory_space<hbm>> -> memref<4000xf32, #tpu.memory_space<hbm>>
        %dma_wait3A_357 = tpu.memref_slice %arg5[%mul3A_4] : memref<100000xf32, #tpu.memory_space<hbm>> -> memref<4000xf32, #tpu.memory_space<hbm>>
        tpu.wait_dma2 semaphore(%run_scoped3A : memref<!tpu.dma_semaphore, #tpu.memory_space<semaphore_mem>>) src(%arg6 : memref<4000xf32, #tpu.memory_space<vmem>>) dst(%dma_wait3A_357 : memref<4000xf32, #tpu.memory_space<hbm>>)
        tpu.yield
      }) : () -> ()
      %get3A = arith.constant 0 : index
      %get3A_5 = tpu.vector_load %arg8[%get3A] {strides = array<i32>} : memref<16xi32, #tpu.memory_space<vmem>>, vector<16xi32>,
      %get3A_6 = vector.shape_cast %get3A_5 : vector<16xi32> to vector<16xi32>
      %slice3A = vector.extract_strided_slice %get3A_6 {offsets = [0], sizes = [1], strides = [1]} : vector<16xi32> to vector<1xi32>
      %squeeze3A = vector.extract %slice3A[0] : i32 from vector<1xi32>
      %multiple_of3A = tpu.assume_multiple %squeeze3A, 160 : i32
      %add3A_7 = arith.constant 4000 : i32
      %add3A_8 = arith.addi %mul3A_4, %add3A_7 : i32
      %add3A_9 = arith.constant 0 : i32
      %add3A_10 = arith.addi %multiple_of3A, %add3A_9 : i32
      %ge3A = arith.constant 100000 : i32
      %ge3A_11 = arith.cmpi sge, %add3A_10, %ge3A : i32
      %sub3A = arith.constant 100000 : i32
      %sub3A_12 = arith.subi %add3A_10, %sub3A : i32
      %select_n3A = arith.select %ge3A_11, %sub3A_12, %add3A_10 : i32
      %ge3A_13 = arith.cmpi sge, %select_n3A, %mul3A_4 : i32
      %lt3A_14 = arith.cmpi slt, %select_n3A, %add3A_8 : i32
      %and3A = arith.andi %ge3A_13, %lt3A_14 : i1
      %convert_element_type3A_15 = arith.extui %and3A : i1 to i32
      %cond3A_16 = arith.constant 0 : i32
      %cond3A_17 = arith.cmpi ne, %convert_element_type3A_15, %cond3A_16 : i32
      scf.if %cond3A_17 {
        "tpu.region"() ({
          %run_scoped3A = tpu.sem_alloc : memref<!tpu.dma_semaphore, #tpu.memory_space<semaphore_mem>>
          %dma_start3A = arith.constant 0 : i32
          %dma_start3A_356 = tpu.memref_slice %arg7[%dma_start3A] : memref<4480xf32, #tpu.memory_space<vmem>> -> memref<160xf32, #tpu.memory_space<vmem>>
          %dma_start3A_357 = tpu.memref_slice %arg5[%select_n3A] : memref<100000xf32, #tpu.memory_space<hbm>> -> memref<160xf32, #tpu.memory_space<hbm>>
          %dma_start3A_358 = tpu.memref_slice %arg5[%select_n3A] : memref<100000xf32, #tpu.memory_space<hbm>> -> memref<160xf32, #tpu.memory_space<hbm>>
          %dma_start3A_359 = arith.constant 0 : i32
          %dma_start3A_360 = tpu.memref_slice %arg7[%dma_start3A_359] : memref<4480xf32, #tpu.memory_space<vmem>> -> memref<160xf32, #tpu.memory_space<vmem>>
          tpu.enqueue_dma source(%dma_start3A_360 : memref<160xf32, #tpu.memory_space<vmem>>) target(%dma_start3A_358 : memref<160xf32, #tpu.memory_space<hbm>>) target_semaphore(%run_scoped3A : memref<!tpu.dma_semaphore, #tpu.memory_space<semaphore_mem>>)
          %dma_wait3A = arith.constant 0 : i32
          %dma_wait3A_361 = tpu.memref_slice %arg7[%dma_wait3A] : memref<4480xf32, #tpu.memory_space<vmem>> -> memref<160xf32, #tpu.memory_space<vmem>>
          %dma_wait3A_362 = tpu.memref_slice %arg5[%select_n3A] : memref<100000xf32, #tpu.memory_space<hbm>> -> memref<160xf32, #tpu.memory_space<hbm>>
          %dma_wait3A_363 = tpu.memref_slice %arg5[%select_n3A] : memref<100000xf32, #tpu.memory_space<hbm>> -> memref<160xf32, #tpu.memory_space<hbm>>
          %dma_wait3A_364 = arith.constant 0 : i32
          %dma_wait3A_365 = tpu.memref_slice %arg7[%dma_wait3A_364] : memref<4480xf32, #tpu.memory_space<vmem>> -> memref<160xf32, #tpu.memory_space<vmem>>
          tpu.wait_dma2 semaphore(%run_scoped3A : memref<!tpu.dma_semaphore, #tpu.memory_space<semaphore_mem>>) src(%dma_wait3A_365 : memref<160xf32, #tpu.memory_space<vmem>>) dst(%dma_wait3A_363 : memref<160xf32, #tpu.memory_space<hbm>>)
          tpu.yield
        }) : () -> ()
      } else {
      }
      %add3A_18 = arith.constant 160 : i32
      %add3A_19 = arith.addi %multiple_of3A, %add3A_18 : i32
      %ge3A_20 = arith.constant 100000 : i32
      %ge3A_21 = arith.cmpi sge, %add3A_19, %ge3A_20 : i32
      %sub3A_22 = arith.constant 100000 : i32
      %sub3A_23 = arith.subi %add3A_19, %sub3A_22 : i32
      %select_n3A_24 = arith.select %ge3A_21, %sub3A_23, %add3A_19 : i32
      %ge3A_25 = arith.cmpi sge, %select_n3A_24, %mul3A_4 : i32
      %lt3A_26 = arith.cmpi slt, %select_n3A_24, %add3A_8 : i32
      %and3A_27 = arith.andi %ge3A_25, %lt3A_26 : i1
      %convert_element_type3A_28 = arith.extui %and3A_27 : i1 to i32
      %cond3A_29 = arith.constant 0 : i32
      %cond3A_30 = arith.cmpi ne, %convert_element_type3A_28, %cond3A_29 : i32
      scf.if %cond3A_30 {
        "tpu.region"() ({
          %run_scoped3A = tpu.sem_alloc : memref<!tpu.dma_semaphore, #tpu.memory_space<semaphore_mem>>
          %dma_start3A = arith.constant 160 : i32
          %dma_start3A_356 = tpu.memref_slice %arg7[%dma_start3A] : memref<4480xf32, #tpu.memory_space<vmem>> -> memref<160xf32, #tpu.memory_space<vmem>>
          %dma_start3A_357 = tpu.memref_slice %arg5[%select_n3A_24] : memref<100000xf32, #tpu.memory_space<hbm>> -> memref<160xf32, #tpu.memory_space<hbm>>
          %dma_start3A_358 = tpu.memref_slice %arg5[%select_n3A_24] : memref<100000xf32, #tpu.memory_space<hbm>> -> memref<160xf32, #tpu.memory_space<hbm>>
          %dma_start3A_359 = arith.constant 160 : i32
          %dma_start3A_360 = tpu.memref_slice %arg7[%dma_start3A_359] : memref<4480xf32, #tpu.memory_space<vmem>> -> memref<160xf32, #tpu.memory_space<vmem>>
          tpu.enqueue_dma source(%dma_start3A_360 : memref<160xf32, #tpu.memory_space<vmem>>) target(%dma_start3A_358 : memref<160xf32, #tpu.memory_space<hbm>>) target_semaphore(%run_scoped3A : memref<!tpu.dma_semaphore, #tpu.memory_space<semaphore_mem>>)
          %dma_wait3A = arith.constant 160 : i32
          %dma_wait3A_361 = tpu.memref_slice %arg7[%dma_wait3A] : memref<4480xf32, #tpu.memory_space<vmem>> -> memref<160xf32, #tpu.memory_space<vmem>>
          %dma_wait3A_362 = tpu.memref_slice %arg5[%select_n3A_24] : memref<100000xf32, #tpu.memory_space<hbm>> -> memref<160xf32, #tpu.memory_space<hbm>>
          %dma_wait3A_363 = tpu.memref_slice %arg5[%select_n3A_24] : memref<100000xf32, #tpu.memory_space<hbm>> -> memref<160xf32, #tpu.memory_space<hbm>>
          %dma_wait3A_364 = arith.constant 160 : i32
          %dma_wait3A_365 = tpu.memref_slice %arg7[%dma_wait3A_364] : memref<4480xf32, #tpu.memory_space<vmem>> -> memref<160xf32, #tpu.memory_space<vmem>>
          tpu.wait_dma2 semaphore(%run_scoped3A : memref<!tpu.dma_semaphore, #tpu.memory_space<semaphore_mem>>) src(%dma_wait3A_365 : memref<160xf32, #tpu.memory_space<vmem>>) dst(%dma_wait3A_363 : memref<160xf32, #tpu.memory_space<hbm>>)
          tpu.yield
        }) : () -> ()
      } else {
      }
      %add3A_31 = arith.constant 320 : i32
      %add3A_32 = arith.addi %multiple_of3A, %add3A_31 : i32
      %ge3A_33 = arith.constant 100000 : i32
      %ge3A_34 = arith.cmpi sge, %add3A_32, %ge3A_33 : i32
      %sub3A_35 = arith.constant 100000 : i32
      %sub3A_36 = arith.subi %add3A_32, %sub3A_35 : i32
      %select_n3A_37 = arith.select %ge3A_34, %sub3A_36, %add3A_32 : i32
      %ge3A_38 = arith.cmpi sge, %select_n3A_37, %mul3A_4 : i32
      %lt3A_39 = arith.cmpi slt, %select_n3A_37, %add3A_8 : i32
      %and3A_40 = arith.andi %ge3A_38, %lt3A_39 : i1
      %convert_element_type3A_41 = arith.extui %and3A_40 : i1 to i32
      %cond3A_42 = arith.constant 0 : i32
      %cond3A_43 = arith.cmpi ne, %convert_element_type3A_41, %cond3A_42 : i32
      scf.if %cond3A_43 {
        "tpu.region"() ({
          %run_scoped3A = tpu.sem_alloc : memref<!tpu.dma_semaphore, #tpu.memory_space<semaphore_mem>>
          %dma_start3A = arith.constant 320 : i32
          %dma_start3A_356 = tpu.memref_slice %arg7[%dma_start3A] : memref<4480xf32, #tpu.memory_space<vmem>> -> memref<160xf32, #tpu.memory_space<vmem>>
          %dma_start3A_357 = tpu.memref_slice %arg5[%select_n3A_37] : memref<100000xf32, #tpu.memory_space<hbm>> -> memref<160xf32, #tpu.memory_space<hbm>>
          %dma_start3A_358 = tpu.memref_slice %arg5[%select_n3A_37] : memref<100000xf32, #tpu.memory_space<hbm>> -> memref<160xf32, #tpu.memory_space<hbm>>
          %dma_start3A_359 = arith.constant 320 : i32
          %dma_start3A_360 = tpu.memref_slice %arg7[%dma_start3A_359] : memref<4480xf32, #tpu.memory_space<vmem>> -> memref<160xf32, #tpu.memory_space<vmem>>
          tpu.enqueue_dma source(%dma_start3A_360 : memref<160xf32, #tpu.memory_space<vmem>>) target(%dma_start3A_358 : memref<160xf32, #tpu.memory_space<hbm>>) target_semaphore(%run_scoped3A : memref<!tpu.dma_semaphore, #tpu.memory_space<semaphore_mem>>)
          %dma_wait3A = arith.constant 320 : i32
          %dma_wait3A_361 = tpu.memref_slice %arg7[%dma_wait3A] : memref<4480xf32, #tpu.memory_space<vmem>> -> memref<160xf32, #tpu.memory_space<vmem>>
          %dma_wait3A_362 = tpu.memref_slice %arg5[%select_n3A_37] : memref<100000xf32, #tpu.memory_space<hbm>> -> memref<160xf32, #tpu.memory_space<hbm>>
          %dma_wait3A_363 = tpu.memref_slice %arg5[%select_n3A_37] : memref<100000xf32, #tpu.memory_space<hbm>> -> memref<160xf32, #tpu.memory_space<hbm>>
          %dma_wait3A_364 = arith.constant 320 : i32
          %dma_wait3A_365 = tpu.memref_slice %arg7[%dma_wait3A_364] : memref<4480xf32, #tpu.memory_space<vmem>> -> memref<160xf32, #tpu.memory_space<vmem>>
          tpu.wait_dma2 semaphore(%run_scoped3A : memref<!tpu.dma_semaphore, #tpu.memory_space<semaphore_mem>>) src(%dma_wait3A_365 : memref<160xf32, #tpu.memory_space<vmem>>) dst(%dma_wait3A_363 : memref<160xf32, #tpu.memory_space<hbm>>)
          tpu.yield
        }) : () -> ()
      } else {
      }
      %add3A_44 = arith.constant 480 : i32
      %add3A_45 = arith.addi %multiple_of3A, %add3A_44 : i32
      %ge3A_46 = arith.constant 100000 : i32
      %ge3A_47 = arith.cmpi sge, %add3A_45, %ge3A_46 : i32
      %sub3A_48 = arith.constant 100000 : i32
      %sub3A_49 = arith.subi %add3A_45, %sub3A_48 : i32
      %select_n3A_50 = arith.select %ge3A_47, %sub3A_49, %add3A_45 : i32
      %ge3A_51 = arith.cmpi sge, %select_n3A_50, %mul3A_4 : i32
      %lt3A_52 = arith.cmpi slt, %select_n3A_50, %add3A_8 : i32
      %and3A_53 = arith.andi %ge3A_51, %lt3A_52 : i1
      %convert_element_type3A_54 = arith.extui %and3A_53 : i1 to i32
      %cond3A_55 = arith.constant 0 : i32
      %cond3A_56 = arith.cmpi ne, %convert_element_type3A_54, %cond3A_55 : i32
      scf.if %cond3A_56 {
        "tpu.region"() ({
          %run_scoped3A = tpu.sem_alloc : memref<!tpu.dma_semaphore, #tpu.memory_space<semaphore_mem>>
          %dma_start3A = arith.constant 480 : i32
          %dma_start3A_356 = tpu.memref_slice %arg7[%dma_start3A] : memref<4480xf32, #tpu.memory_space<vmem>> -> memref<160xf32, #tpu.memory_space<vmem>>
          %dma_start3A_357 = tpu.memref_slice %arg5[%select_n3A_50] : memref<100000xf32, #tpu.memory_space<hbm>> -> memref<160xf32, #tpu.memory_space<hbm>>
          %dma_start3A_358 = tpu.memref_slice %arg5[%select_n3A_50] : memref<100000xf32, #tpu.memory_space<hbm>> -> memref<160xf32, #tpu.memory_space<hbm>>
          %dma_start3A_359 = arith.constant 480 : i32
          %dma_start3A_360 = tpu.memref_slice %arg7[%dma_start3A_359] : memref<4480xf32, #tpu.memory_space<vmem>> -> memref<160xf32, #tpu.memory_space<vmem>>
          tpu.enqueue_dma source(%dma_start3A_360 : memref<160xf32, #tpu.memory_space<vmem>>) target(%dma_start3A_358 : memref<160xf32, #tpu.memory_space<hbm>>) target_semaphore(%run_scoped3A : memref<!tpu.dma_semaphore, #tpu.memory_space<semaphore_mem>>)
          %dma_wait3A = arith.constant 480 : i32
          %dma_wait3A_361 = tpu.memref_slice %arg7[%dma_wait3A] : memref<4480xf32, #tpu.memory_space<vmem>> -> memref<160xf32, #tpu.memory_space<vmem>>
          %dma_wait3A_362 = tpu.memref_slice %arg5[%select_n3A_50] : memref<100000xf32, #tpu.memory_space<hbm>> -> memref<160xf32, #tpu.memory_space<hbm>>
          %dma_wait3A_363 = tpu.memref_slice %arg5[%select_n3A_50] : memref<100000xf32, #tpu.memory_space<hbm>> -> memref<160xf32, #tpu.memory_space<hbm>>
          %dma_wait3A_364 = arith.constant 480 : i32
          %dma_wait3A_365 = tpu.memref_slice %arg7[%dma_wait3A_364] : memref<4480xf32, #tpu.memory_space<vmem>> -> memref<160xf32, #tpu.memory_space<vmem>>
          tpu.wait_dma2 semaphore(%run_scoped3A : memref<!tpu.dma_semaphore, #tpu.memory_space<semaphore_mem>>) src(%dma_wait3A_365 : memref<160xf32, #tpu.memory_space<vmem>>) dst(%dma_wait3A_363 : memref<160xf32, #tpu.memory_space<hbm>>)
          tpu.yield
        }) : () -> ()
      } else {
      }
      %add3A_57 = arith.constant 640 : i32
      %add3A_58 = arith.addi %multiple_of3A, %add3A_57 : i32
      %ge3A_59 = arith.constant 100000 : i32
      %ge3A_60 = arith.cmpi sge, %add3A_58, %ge3A_59 : i32
      %sub3A_61 = arith.constant 100000 : i32
      %sub3A_62 = arith.subi %add3A_58, %sub3A_61 : i32
      %select_n3A_63 = arith.select %ge3A_60, %sub3A_62, %add3A_58 : i32
      %ge3A_64 = arith.cmpi sge, %select_n3A_63, %mul3A_4 : i32
      %lt3A_65 = arith.cmpi slt, %select_n3A_63, %add3A_8 : i32
      %and3A_66 = arith.andi %ge3A_64, %lt3A_65 : i1
      %convert_element_type3A_67 = arith.extui %and3A_66 : i1 to i32
      %cond3A_68 = arith.constant 0 : i32
      %cond3A_69 = arith.cmpi ne, %convert_element_type3A_67, %cond3A_68 : i32
      scf.if %cond3A_69 {
        "tpu.region"() ({
          %run_scoped3A = tpu.sem_alloc : memref<!tpu.dma_semaphore, #tpu.memory_space<semaphore_mem>>
          %dma_start3A = arith.constant 640 : i32
          %dma_start3A_356 = tpu.memref_slice %arg7[%dma_start3A] : memref<4480xf32, #tpu.memory_space<vmem>> -> memref<160xf32, #tpu.memory_space<vmem>>
          %dma_start3A_357 = tpu.memref_slice %arg5[%select_n3A_63] : memref<100000xf32, #tpu.memory_space<hbm>> -> memref<160xf32, #tpu.memory_space<hbm>>
          %dma_start3A_358 = tpu.memref_slice %arg5[%select_n3A_63] : memref<100000xf32, #tpu.memory_space<hbm>> -> memref<160xf32, #tpu.memory_space<hbm>>
          %dma_start3A_359 = arith.constant 640 : i32
          %dma_start3A_360 = tpu.memref_slice %arg7[%dma_start3A_359] : memref<4480xf32, #tpu.memory_space<vmem>> -> memref<160xf32, #tpu.memory_space<vmem>>
          tpu.enqueue_dma source(%dma_start3A_360 : memref<160xf32, #tpu.memory_space<vmem>>) target(%dma_start3A_358 : memref<160xf32, #tpu.memory_space<hbm>>) target_semaphore(%run_scoped3A : memref<!tpu.dma_semaphore, #tpu.memory_space<semaphore_mem>>)
          %dma_wait3A = arith.constant 640 : i32
          %dma_wait3A_361 = tpu.memref_slice %arg7[%dma_wait3A] : memref<4480xf32, #tpu.memory_space<vmem>> -> memref<160xf32, #tpu.memory_space<vmem>>
          %dma_wait3A_362 = tpu.memref_slice %arg5[%select_n3A_63] : memref<100000xf32, #tpu.memory_space<hbm>> -> memref<160xf32, #tpu.memory_space<hbm>>
          %dma_wait3A_363 = tpu.memref_slice %arg5[%select_n3A_63] : memref<100000xf32, #tpu.memory_space<hbm>> -> memref<160xf32, #tpu.memory_space<hbm>>
          %dma_wait3A_364 = arith.constant 640 : i32
          %dma_wait3A_365 = tpu.memref_slice %arg7[%dma_wait3A_364] : memref<4480xf32, #tpu.memory_space<vmem>> -> memref<160xf32, #tpu.memory_space<vmem>>
          tpu.wait_dma2 semaphore(%run_scoped3A : memref<!tpu.dma_semaphore, #tpu.memory_space<semaphore_mem>>) src(%dma_wait3A_365 : memref<160xf32, #tpu.memory_space<vmem>>) dst(%dma_wait3A_363 : memref<160xf32, #tpu.memory_space<hbm>>)
          tpu.yield
        }) : () -> ()
      } else {
      }
      %add3A_70 = arith.constant 800 : i32
      %add3A_71 = arith.addi %multiple_of3A, %add3A_70 : i32
      %ge3A_72 = arith.constant 100000 : i32
      %ge3A_73 = arith.cmpi sge, %add3A_71, %ge3A_72 : i32
      %sub3A_74 = arith.constant 100000 : i32
      %sub3A_75 = arith.subi %add3A_71, %sub3A_74 : i32
      %select_n3A_76 = arith.select %ge3A_73, %sub3A_75, %add3A_71 : i32
      %ge3A_77 = arith.cmpi sge, %select_n3A_76, %mul3A_4 : i32
      %lt3A_78 = arith.cmpi slt, %select_n3A_76, %add3A_8 : i32
      %and3A_79 = arith.andi %ge3A_77, %lt3A_78 : i1
      %convert_element_type3A_80 = arith.extui %and3A_79 : i1 to i32
      %cond3A_81 = arith.constant 0 : i32
      %cond3A_82 = arith.cmpi ne, %convert_element_type3A_80, %cond3A_81 : i32
      scf.if %cond3A_82 {
        "tpu.region"() ({
          %run_scoped3A = tpu.sem_alloc : memref<!tpu.dma_semaphore, #tpu.memory_space<semaphore_mem>>
          %dma_start3A = arith.constant 800 : i32
          %dma_start3A_356 = tpu.memref_slice %arg7[%dma_start3A] : memref<4480xf32, #tpu.memory_space<vmem>> -> memref<160xf32, #tpu.memory_space<vmem>>
          %dma_start3A_357 = tpu.memref_slice %arg5[%select_n3A_76] : memref<100000xf32, #tpu.memory_space<hbm>> -> memref<160xf32, #tpu.memory_space<hbm>>
          %dma_start3A_358 = tpu.memref_slice %arg5[%select_n3A_76] : memref<100000xf32, #tpu.memory_space<hbm>> -> memref<160xf32, #tpu.memory_space<hbm>>
          %dma_start3A_359 = arith.constant 800 : i32
          %dma_start3A_360 = tpu.memref_slice %arg7[%dma_start3A_359] : memref<4480xf32, #tpu.memory_space<vmem>> -> memref<160xf32, #tpu.memory_space<vmem>>
          tpu.enqueue_dma source(%dma_start3A_360 : memref<160xf32, #tpu.memory_space<vmem>>) target(%dma_start3A_358 : memref<160xf32, #tpu.memory_space<hbm>>) target_semaphore(%run_scoped3A : memref<!tpu.dma_semaphore, #tpu.memory_space<semaphore_mem>>)
          %dma_wait3A = arith.constant 800 : i32
          %dma_wait3A_361 = tpu.memref_slice %arg7[%dma_wait3A] : memref<4480xf32, #tpu.memory_space<vmem>> -> memref<160xf32, #tpu.memory_space<vmem>>
          %dma_wait3A_362 = tpu.memref_slice %arg5[%select_n3A_76] : memref<100000xf32, #tpu.memory_space<hbm>> -> memref<160xf32, #tpu.memory_space<hbm>>
          %dma_wait3A_363 = tpu.memref_slice %arg5[%select_n3A_76] : memref<100000xf32, #tpu.memory_space<hbm>> -> memref<160xf32, #tpu.memory_space<hbm>>
          %dma_wait3A_364 = arith.constant 800 : i32
          %dma_wait3A_365 = tpu.memref_slice %arg7[%dma_wait3A_364] : memref<4480xf32, #tpu.memory_space<vmem>> -> memref<160xf32, #tpu.memory_space<vmem>>
          tpu.wait_dma2 semaphore(%run_scoped3A : memref<!tpu.dma_semaphore, #tpu.memory_space<semaphore_mem>>) src(%dma_wait3A_365 : memref<160xf32, #tpu.memory_space<vmem>>) dst(%dma_wait3A_363 : memref<160xf32, #tpu.memory_space<hbm>>)
          tpu.yield
        }) : () -> ()
      } else {
      }
      %add3A_83 = arith.constant 960 : i32
      %add3A_84 = arith.addi %multiple_of3A, %add3A_83 : i32
      %ge3A_85 = arith.constant 100000 : i32
      %ge3A_86 = arith.cmpi sge, %add3A_84, %ge3A_85 : i32
      %sub3A_87 = arith.constant 100000 : i32
      %sub3A_88 = arith.subi %add3A_84, %sub3A_87 : i32
      %select_n3A_89 = arith.select %ge3A_86, %sub3A_88, %add3A_84 : i32
      %ge3A_90 = arith.cmpi sge, %select_n3A_89, %mul3A_4 : i32
      %lt3A_91 = arith.cmpi slt, %select_n3A_89, %add3A_8 : i32
      %and3A_92 = arith.andi %ge3A_90, %lt3A_91 : i1
      %convert_element_type3A_93 = arith.extui %and3A_92 : i1 to i32
      %cond3A_94 = arith.constant 0 : i32
      %cond3A_95 = arith.cmpi ne, %convert_element_type3A_93, %cond3A_94 : i32
      scf.if %cond3A_95 {
        "tpu.region"() ({
          %run_scoped3A = tpu.sem_alloc : memref<!tpu.dma_semaphore, #tpu.memory_space<semaphore_mem>>
          %dma_start3A = arith.constant 960 : i32
          %dma_start3A_356 = tpu.memref_slice %arg7[%dma_start3A] : memref<4480xf32, #tpu.memory_space<vmem>> -> memref<160xf32, #tpu.memory_space<vmem>>
          %dma_start3A_357 = tpu.memref_slice %arg5[%select_n3A_89] : memref<100000xf32, #tpu.memory_space<hbm>> -> memref<160xf32, #tpu.memory_space<hbm>>
          %dma_start3A_358 = tpu.memref_slice %arg5[%select_n3A_89] : memref<100000xf32, #tpu.memory_space<hbm>> -> memref<160xf32, #tpu.memory_space<hbm>>
          %dma_start3A_359 = arith.constant 960 : i32
          %dma_start3A_360 = tpu.memref_slice %arg7[%dma_start3A_359] : memref<4480xf32, #tpu.memory_space<vmem>> -> memref<160xf32, #tpu.memory_space<vmem>>
          tpu.enqueue_dma source(%dma_start3A_360 : memref<160xf32, #tpu.memory_space<vmem>>) target(%dma_start3A_358 : memref<160xf32, #tpu.memory_space<hbm>>) target_semaphore(%run_scoped3A : memref<!tpu.dma_semaphore, #tpu.memory_space<semaphore_mem>>)
          %dma_wait3A = arith.constant 960 : i32
          %dma_wait3A_361 = tpu.memref_slice %arg7[%dma_wait3A] : memref<4480xf32, #tpu.memory_space<vmem>> -> memref<160xf32, #tpu.memory_space<vmem>>
          %dma_wait3A_362 = tpu.memref_slice %arg5[%select_n3A_89] : memref<100000xf32, #tpu.memory_space<hbm>> -> memref<160xf32, #tpu.memory_space<hbm>>
          %dma_wait3A_363 = tpu.memref_slice %arg5[%select_n3A_89] : memref<100000xf32, #tpu.memory_space<hbm>> -> memref<160xf32, #tpu.memory_space<hbm>>
          %dma_wait3A_364 = arith.constant 960 : i32
          %dma_wait3A_365 = tpu.memref_slice %arg7[%dma_wait3A_364] : memref<4480xf32, #tpu.memory_space<vmem>> -> memref<160xf32, #tpu.memory_space<vmem>>
          tpu.wait_dma2 semaphore(%run_scoped3A : memref<!tpu.dma_semaphore, #tpu.memory_space<semaphore_mem>>) src(%dma_wait3A_365 : memref<160xf32, #tpu.memory_space<vmem>>) dst(%dma_wait3A_363 : memref<160xf32, #tpu.memory_space<hbm>>)
          tpu.yield
        }) : () -> ()
      } else {
      }
      %add3A_96 = arith.constant 1120 : i32
      %add3A_97 = arith.addi %multiple_of3A, %add3A_96 : i32
      %ge3A_98 = arith.constant 100000 : i32
      %ge3A_99 = arith.cmpi sge, %add3A_97, %ge3A_98 : i32
      %sub3A_100 = arith.constant 100000 : i32
      %sub3A_101 = arith.subi %add3A_97, %sub3A_100 : i32
      %select_n3A_102 = arith.select %ge3A_99, %sub3A_101, %add3A_97 : i32
      %ge3A_103 = arith.cmpi sge, %select_n3A_102, %mul3A_4 : i32
      %lt3A_104 = arith.cmpi slt, %select_n3A_102, %add3A_8 : i32
      %and3A_105 = arith.andi %ge3A_103, %lt3A_104 : i1
      %convert_element_type3A_106 = arith.extui %and3A_105 : i1 to i32
      %cond3A_107 = arith.constant 0 : i32
      %cond3A_108 = arith.cmpi ne, %convert_element_type3A_106, %cond3A_107 : i32
      scf.if %cond3A_108 {
        "tpu.region"() ({
          %run_scoped3A = tpu.sem_alloc : memref<!tpu.dma_semaphore, #tpu.memory_space<semaphore_mem>>
          %dma_start3A = arith.constant 1120 : i32
          %dma_start3A_356 = tpu.memref_slice %arg7[%dma_start3A] : memref<4480xf32, #tpu.memory_space<vmem>> -> memref<160xf32, #tpu.memory_space<vmem>>
          %dma_start3A_357 = tpu.memref_slice %arg5[%select_n3A_102] : memref<100000xf32, #tpu.memory_space<hbm>> -> memref<160xf32, #tpu.memory_space<hbm>>
          %dma_start3A_358 = tpu.memref_slice %arg5[%select_n3A_102] : memref<100000xf32, #tpu.memory_space<hbm>> -> memref<160xf32, #tpu.memory_space<hbm>>
          %dma_start3A_359 = arith.constant 1120 : i32
          %dma_start3A_360 = tpu.memref_slice %arg7[%dma_start3A_359] : memref<4480xf32, #tpu.memory_space<vmem>> -> memref<160xf32, #tpu.memory_space<vmem>>
          tpu.enqueue_dma source(%dma_start3A_360 : memref<160xf32, #tpu.memory_space<vmem>>) target(%dma_start3A_358 : memref<160xf32, #tpu.memory_space<hbm>>) target_semaphore(%run_scoped3A : memref<!tpu.dma_semaphore, #tpu.memory_space<semaphore_mem>>)
          %dma_wait3A = arith.constant 1120 : i32
          %dma_wait3A_361 = tpu.memref_slice %arg7[%dma_wait3A] : memref<4480xf32, #tpu.memory_space<vmem>> -> memref<160xf32, #tpu.memory_space<vmem>>
          %dma_wait3A_362 = tpu.memref_slice %arg5[%select_n3A_102] : memref<100000xf32, #tpu.memory_space<hbm>> -> memref<160xf32, #tpu.memory_space<hbm>>
          %dma_wait3A_363 = tpu.memref_slice %arg5[%select_n3A_102] : memref<100000xf32, #tpu.memory_space<hbm>> -> memref<160xf32, #tpu.memory_space<hbm>>
          %dma_wait3A_364 = arith.constant 1120 : i32
          %dma_wait3A_365 = tpu.memref_slice %arg7[%dma_wait3A_364] : memref<4480xf32, #tpu.memory_space<vmem>> -> memref<160xf32, #tpu.memory_space<vmem>>
          tpu.wait_dma2 semaphore(%run_scoped3A : memref<!tpu.dma_semaphore, #tpu.memory_space<semaphore_mem>>) src(%dma_wait3A_365 : memref<160xf32, #tpu.memory_space<vmem>>) dst(%dma_wait3A_363 : memref<160xf32, #tpu.memory_space<hbm>>)
          tpu.yield
        }) : () -> ()
      } else {
      }
      %add3A_109 = arith.constant 1280 : i32
      %add3A_110 = arith.addi %multiple_of3A, %add3A_109 : i32
      %ge3A_111 = arith.constant 100000 : i32
      %ge3A_112 = arith.cmpi sge, %add3A_110, %ge3A_111 : i32
      %sub3A_113 = arith.constant 100000 : i32
      %sub3A_114 = arith.subi %add3A_110, %sub3A_113 : i32
      %select_n3A_115 = arith.select %ge3A_112, %sub3A_114, %add3A_110 : i32
      %ge3A_116 = arith.cmpi sge, %select_n3A_115, %mul3A_4 : i32
      %lt3A_117 = arith.cmpi slt, %select_n3A_115, %add3A_8 : i32
      %and3A_118 = arith.andi %ge3A_116, %lt3A_117 : i1
      %convert_element_type3A_119 = arith.extui %and3A_118 : i1 to i32
      %cond3A_120 = arith.constant 0 : i32
      %cond3A_121 = arith.cmpi ne, %convert_element_type3A_119, %cond3A_120 : i32
      scf.if %cond3A_121 {
        "tpu.region"() ({
          %run_scoped3A = tpu.sem_alloc : memref<!tpu.dma_semaphore, #tpu.memory_space<semaphore_mem>>
          %dma_start3A = arith.constant 1280 : i32
          %dma_start3A_356 = tpu.memref_slice %arg7[%dma_start3A] : memref<4480xf32, #tpu.memory_space<vmem>> -> memref<160xf32, #tpu.memory_space<vmem>>
          %dma_start3A_357 = tpu.memref_slice %arg5[%select_n3A_115] : memref<100000xf32, #tpu.memory_space<hbm>> -> memref<160xf32, #tpu.memory_space<hbm>>
          %dma_start3A_358 = tpu.memref_slice %arg5[%select_n3A_115] : memref<100000xf32, #tpu.memory_space<hbm>> -> memref<160xf32, #tpu.memory_space<hbm>>
          %dma_start3A_359 = arith.constant 1280 : i32
          %dma_start3A_360 = tpu.memref_slice %arg7[%dma_start3A_359] : memref<4480xf32, #tpu.memory_space<vmem>> -> memref<160xf32, #tpu.memory_space<vmem>>
          tpu.enqueue_dma source(%dma_start3A_360 : memref<160xf32, #tpu.memory_space<vmem>>) target(%dma_start3A_358 : memref<160xf32, #tpu.memory_space<hbm>>) target_semaphore(%run_scoped3A : memref<!tpu.dma_semaphore, #tpu.memory_space<semaphore_mem>>)
          %dma_wait3A = arith.constant 1280 : i32
          %dma_wait3A_361 = tpu.memref_slice %arg7[%dma_wait3A] : memref<4480xf32, #tpu.memory_space<vmem>> -> memref<160xf32, #tpu.memory_space<vmem>>
          %dma_wait3A_362 = tpu.memref_slice %arg5[%select_n3A_115] : memref<100000xf32, #tpu.memory_space<hbm>> -> memref<160xf32, #tpu.memory_space<hbm>>
          %dma_wait3A_363 = tpu.memref_slice %arg5[%select_n3A_115] : memref<100000xf32, #tpu.memory_space<hbm>> -> memref<160xf32, #tpu.memory_space<hbm>>
          %dma_wait3A_364 = arith.constant 1280 : i32
          %dma_wait3A_365 = tpu.memref_slice %arg7[%dma_wait3A_364] : memref<4480xf32, #tpu.memory_space<vmem>> -> memref<160xf32, #tpu.memory_space<vmem>>
          tpu.wait_dma2 semaphore(%run_scoped3A : memref<!tpu.dma_semaphore, #tpu.memory_space<semaphore_mem>>) src(%dma_wait3A_365 : memref<160xf32, #tpu.memory_space<vmem>>) dst(%dma_wait3A_363 : memref<160xf32, #tpu.memory_space<hbm>>)
          tpu.yield
        }) : () -> ()
      } else {
      }
      %add3A_122 = arith.constant 1440 : i32
      %add3A_123 = arith.addi %multiple_of3A, %add3A_122 : i32
      %ge3A_124 = arith.constant 100000 : i32
      %ge3A_125 = arith.cmpi sge, %add3A_123, %ge3A_124 : i32
      %sub3A_126 = arith.constant 100000 : i32
      %sub3A_127 = arith.subi %add3A_123, %sub3A_126 : i32
      %select_n3A_128 = arith.select %ge3A_125, %sub3A_127, %add3A_123 : i32
      %ge3A_129 = arith.cmpi sge, %select_n3A_128, %mul3A_4 : i32
      %lt3A_130 = arith.cmpi slt, %select_n3A_128, %add3A_8 : i32
      %and3A_131 = arith.andi %ge3A_129, %lt3A_130 : i1
      %convert_element_type3A_132 = arith.extui %and3A_131 : i1 to i32
      %cond3A_133 = arith.constant 0 : i32
      %cond3A_134 = arith.cmpi ne, %convert_element_type3A_132, %cond3A_133 : i32
      scf.if %cond3A_134 {
        "tpu.region"() ({
          %run_scoped3A = tpu.sem_alloc : memref<!tpu.dma_semaphore, #tpu.memory_space<semaphore_mem>>
          %dma_start3A = arith.constant 1440 : i32
          %dma_start3A_356 = tpu.memref_slice %arg7[%dma_start3A] : memref<4480xf32, #tpu.memory_space<vmem>> -> memref<160xf32, #tpu.memory_space<vmem>>
          %dma_start3A_357 = tpu.memref_slice %arg5[%select_n3A_128] : memref<100000xf32, #tpu.memory_space<hbm>> -> memref<160xf32, #tpu.memory_space<hbm>>
          %dma_start3A_358 = tpu.memref_slice %arg5[%select_n3A_128] : memref<100000xf32, #tpu.memory_space<hbm>> -> memref<160xf32, #tpu.memory_space<hbm>>
          %dma_start3A_359 = arith.constant 1440 : i32
          %dma_start3A_360 = tpu.memref_slice %arg7[%dma_start3A_359] : memref<4480xf32, #tpu.memory_space<vmem>> -> memref<160xf32, #tpu.memory_space<vmem>>
          tpu.enqueue_dma source(%dma_start3A_360 : memref<160xf32, #tpu.memory_space<vmem>>) target(%dma_start3A_358 : memref<160xf32, #tpu.memory_space<hbm>>) target_semaphore(%run_scoped3A : memref<!tpu.dma_semaphore, #tpu.memory_space<semaphore_mem>>)
          %dma_wait3A = arith.constant 1440 : i32
          %dma_wait3A_361 = tpu.memref_slice %arg7[%dma_wait3A] : memref<4480xf32, #tpu.memory_space<vmem>> -> memref<160xf32, #tpu.memory_space<vmem>>
          %dma_wait3A_362 = tpu.memref_slice %arg5[%select_n3A_128] : memref<100000xf32, #tpu.memory_space<hbm>> -> memref<160xf32, #tpu.memory_space<hbm>>
          %dma_wait3A_363 = tpu.memref_slice %arg5[%select_n3A_128] : memref<100000xf32, #tpu.memory_space<hbm>> -> memref<160xf32, #tpu.memory_space<hbm>>
          %dma_wait3A_364 = arith.constant 1440 : i32
          %dma_wait3A_365 = tpu.memref_slice %arg7[%dma_wait3A_364] : memref<4480xf32, #tpu.memory_space<vmem>> -> memref<160xf32, #tpu.memory_space<vmem>>
          tpu.wait_dma2 semaphore(%run_scoped3A : memref<!tpu.dma_semaphore, #tpu.memory_space<semaphore_mem>>) src(%dma_wait3A_365 : memref<160xf32, #tpu.memory_space<vmem>>) dst(%dma_wait3A_363 : memref<160xf32, #tpu.memory_space<hbm>>)
          tpu.yield
        }) : () -> ()
      } else {
      }
      %add3A_135 = arith.constant 1600 : i32
      %add3A_136 = arith.addi %multiple_of3A, %add3A_135 : i32
      %ge3A_137 = arith.constant 100000 : i32
      %ge3A_138 = arith.cmpi sge, %add3A_136, %ge3A_137 : i32
      %sub3A_139 = arith.constant 100000 : i32
      %sub3A_140 = arith.subi %add3A_136, %sub3A_139 : i32
      %select_n3A_141 = arith.select %ge3A_138, %sub3A_140, %add3A_136 : i32
      %ge3A_142 = arith.cmpi sge, %select_n3A_141, %mul3A_4 : i32
      %lt3A_143 = arith.cmpi slt, %select_n3A_141, %add3A_8 : i32
      %and3A_144 = arith.andi %ge3A_142, %lt3A_143 : i1
      %convert_element_type3A_145 = arith.extui %and3A_144 : i1 to i32
      %cond3A_146 = arith.constant 0 : i32
      %cond3A_147 = arith.cmpi ne, %convert_element_type3A_145, %cond3A_146 : i32
      scf.if %cond3A_147 {
        "tpu.region"() ({
          %run_scoped3A = tpu.sem_alloc : memref<!tpu.dma_semaphore, #tpu.memory_space<semaphore_mem>>
          %dma_start3A = arith.constant 1600 : i32
          %dma_start3A_356 = tpu.memref_slice %arg7[%dma_start3A] : memref<4480xf32, #tpu.memory_space<vmem>> -> memref<160xf32, #tpu.memory_space<vmem>>
          %dma_start3A_357 = tpu.memref_slice %arg5[%select_n3A_141] : memref<100000xf32, #tpu.memory_space<hbm>> -> memref<160xf32, #tpu.memory_space<hbm>>
          %dma_start3A_358 = tpu.memref_slice %arg5[%select_n3A_141] : memref<100000xf32, #tpu.memory_space<hbm>> -> memref<160xf32, #tpu.memory_space<hbm>>
          %dma_start3A_359 = arith.constant 1600 : i32
          %dma_start3A_360 = tpu.memref_slice %arg7[%dma_start3A_359] : memref<4480xf32, #tpu.memory_space<vmem>> -> memref<160xf32, #tpu.memory_space<vmem>>
          tpu.enqueue_dma source(%dma_start3A_360 : memref<160xf32, #tpu.memory_space<vmem>>) target(%dma_start3A_358 : memref<160xf32, #tpu.memory_space<hbm>>) target_semaphore(%run_scoped3A : memref<!tpu.dma_semaphore, #tpu.memory_space<semaphore_mem>>)
          %dma_wait3A = arith.constant 1600 : i32
          %dma_wait3A_361 = tpu.memref_slice %arg7[%dma_wait3A] : memref<4480xf32, #tpu.memory_space<vmem>> -> memref<160xf32, #tpu.memory_space<vmem>>
          %dma_wait3A_362 = tpu.memref_slice %arg5[%select_n3A_141] : memref<100000xf32, #tpu.memory_space<hbm>> -> memref<160xf32, #tpu.memory_space<hbm>>
          %dma_wait3A_363 = tpu.memref_slice %arg5[%select_n3A_141] : memref<100000xf32, #tpu.memory_space<hbm>> -> memref<160xf32, #tpu.memory_space<hbm>>
          %dma_wait3A_364 = arith.constant 1600 : i32
          %dma_wait3A_365 = tpu.memref_slice %arg7[%dma_wait3A_364] : memref<4480xf32, #tpu.memory_space<vmem>> -> memref<160xf32, #tpu.memory_space<vmem>>
          tpu.wait_dma2 semaphore(%run_scoped3A : memref<!tpu.dma_semaphore, #tpu.memory_space<semaphore_mem>>) src(%dma_wait3A_365 : memref<160xf32, #tpu.memory_space<vmem>>) dst(%dma_wait3A_363 : memref<160xf32, #tpu.memory_space<hbm>>)
          tpu.yield
        }) : () -> ()
      } else {
      }
      %add3A_148 = arith.constant 1760 : i32
      %add3A_149 = arith.addi %multiple_of3A, %add3A_148 : i32
      %ge3A_150 = arith.constant 100000 : i32
      %ge3A_151 = arith.cmpi sge, %add3A_149, %ge3A_150 : i32
      %sub3A_152 = arith.constant 100000 : i32
      %sub3A_153 = arith.subi %add3A_149, %sub3A_152 : i32
      %select_n3A_154 = arith.select %ge3A_151, %sub3A_153, %add3A_149 : i32
      %ge3A_155 = arith.cmpi sge, %select_n3A_154, %mul3A_4 : i32
      %lt3A_156 = arith.cmpi slt, %select_n3A_154, %add3A_8 : i32
      %and3A_157 = arith.andi %ge3A_155, %lt3A_156 : i1
      %convert_element_type3A_158 = arith.extui %and3A_157 : i1 to i32
      %cond3A_159 = arith.constant 0 : i32
      %cond3A_160 = arith.cmpi ne, %convert_element_type3A_158, %cond3A_159 : i32
      scf.if %cond3A_160 {
        "tpu.region"() ({
          %run_scoped3A = tpu.sem_alloc : memref<!tpu.dma_semaphore, #tpu.memory_space<semaphore_mem>>
          %dma_start3A = arith.constant 1760 : i32
          %dma_start3A_356 = tpu.memref_slice %arg7[%dma_start3A] : memref<4480xf32, #tpu.memory_space<vmem>> -> memref<160xf32, #tpu.memory_space<vmem>>
          %dma_start3A_357 = tpu.memref_slice %arg5[%select_n3A_154] : memref<100000xf32, #tpu.memory_space<hbm>> -> memref<160xf32, #tpu.memory_space<hbm>>
          %dma_start3A_358 = tpu.memref_slice %arg5[%select_n3A_154] : memref<100000xf32, #tpu.memory_space<hbm>> -> memref<160xf32, #tpu.memory_space<hbm>>
          %dma_start3A_359 = arith.constant 1760 : i32
          %dma_start3A_360 = tpu.memref_slice %arg7[%dma_start3A_359] : memref<4480xf32, #tpu.memory_space<vmem>> -> memref<160xf32, #tpu.memory_space<vmem>>
          tpu.enqueue_dma source(%dma_start3A_360 : memref<160xf32, #tpu.memory_space<vmem>>) target(%dma_start3A_358 : memref<160xf32, #tpu.memory_space<hbm>>) target_semaphore(%run_scoped3A : memref<!tpu.dma_semaphore, #tpu.memory_space<semaphore_mem>>)
          %dma_wait3A = arith.constant 1760 : i32
          %dma_wait3A_361 = tpu.memref_slice %arg7[%dma_wait3A] : memref<4480xf32, #tpu.memory_space<vmem>> -> memref<160xf32, #tpu.memory_space<vmem>>
          %dma_wait3A_362 = tpu.memref_slice %arg5[%select_n3A_154] : memref<100000xf32, #tpu.memory_space<hbm>> -> memref<160xf32, #tpu.memory_space<hbm>>
          %dma_wait3A_363 = tpu.memref_slice %arg5[%select_n3A_154] : memref<100000xf32, #tpu.memory_space<hbm>> -> memref<160xf32, #tpu.memory_space<hbm>>
          %dma_wait3A_364 = arith.constant 1760 : i32
          %dma_wait3A_365 = tpu.memref_slice %arg7[%dma_wait3A_364] : memref<4480xf32, #tpu.memory_space<vmem>> -> memref<160xf32, #tpu.memory_space<vmem>>
          tpu.wait_dma2 semaphore(%run_scoped3A : memref<!tpu.dma_semaphore, #tpu.memory_space<semaphore_mem>>) src(%dma_wait3A_365 : memref<160xf32, #tpu.memory_space<vmem>>) dst(%dma_wait3A_363 : memref<160xf32, #tpu.memory_space<hbm>>)
          tpu.yield
        }) : () -> ()
      } else {
      }
      %add3A_161 = arith.constant 1920 : i32
      %add3A_162 = arith.addi %multiple_of3A, %add3A_161 : i32
      %ge3A_163 = arith.constant 100000 : i32
      %ge3A_164 = arith.cmpi sge, %add3A_162, %ge3A_163 : i32
      %sub3A_165 = arith.constant 100000 : i32
      %sub3A_166 = arith.subi %add3A_162, %sub3A_165 : i32
      %select_n3A_167 = arith.select %ge3A_164, %sub3A_166, %add3A_162 : i32
      %ge3A_168 = arith.cmpi sge, %select_n3A_167, %mul3A_4 : i32
      %lt3A_169 = arith.cmpi slt, %select_n3A_167, %add3A_8 : i32
      %and3A_170 = arith.andi %ge3A_168, %lt3A_169 : i1
      %convert_element_type3A_171 = arith.extui %and3A_170 : i1 to i32
      %cond3A_172 = arith.constant 0 : i32
      %cond3A_173 = arith.cmpi ne, %convert_element_type3A_171, %cond3A_172 : i32
      scf.if %cond3A_173 {
        "tpu.region"() ({
          %run_scoped3A = tpu.sem_alloc : memref<!tpu.dma_semaphore, #tpu.memory_space<semaphore_mem>>
          %dma_start3A = arith.constant 1920 : i32
          %dma_start3A_356 = tpu.memref_slice %arg7[%dma_start3A] : memref<4480xf32, #tpu.memory_space<vmem>> -> memref<160xf32, #tpu.memory_space<vmem>>
          %dma_start3A_357 = tpu.memref_slice %arg5[%select_n3A_167] : memref<100000xf32, #tpu.memory_space<hbm>> -> memref<160xf32, #tpu.memory_space<hbm>>
          %dma_start3A_358 = tpu.memref_slice %arg5[%select_n3A_167] : memref<100000xf32, #tpu.memory_space<hbm>> -> memref<160xf32, #tpu.memory_space<hbm>>
          %dma_start3A_359 = arith.constant 1920 : i32
          %dma_start3A_360 = tpu.memref_slice %arg7[%dma_start3A_359] : memref<4480xf32, #tpu.memory_space<vmem>> -> memref<160xf32, #tpu.memory_space<vmem>>
          tpu.enqueue_dma source(%dma_start3A_360 : memref<160xf32, #tpu.memory_space<vmem>>) target(%dma_start3A_358 : memref<160xf32, #tpu.memory_space<hbm>>) target_semaphore(%run_scoped3A : memref<!tpu.dma_semaphore, #tpu.memory_space<semaphore_mem>>)
          %dma_wait3A = arith.constant 1920 : i32
          %dma_wait3A_361 = tpu.memref_slice %arg7[%dma_wait3A] : memref<4480xf32, #tpu.memory_space<vmem>> -> memref<160xf32, #tpu.memory_space<vmem>>
          %dma_wait3A_362 = tpu.memref_slice %arg5[%select_n3A_167] : memref<100000xf32, #tpu.memory_space<hbm>> -> memref<160xf32, #tpu.memory_space<hbm>>
          %dma_wait3A_363 = tpu.memref_slice %arg5[%select_n3A_167] : memref<100000xf32, #tpu.memory_space<hbm>> -> memref<160xf32, #tpu.memory_space<hbm>>
          %dma_wait3A_364 = arith.constant 1920 : i32
          %dma_wait3A_365 = tpu.memref_slice %arg7[%dma_wait3A_364] : memref<4480xf32, #tpu.memory_space<vmem>> -> memref<160xf32, #tpu.memory_space<vmem>>
          tpu.wait_dma2 semaphore(%run_scoped3A : memref<!tpu.dma_semaphore, #tpu.memory_space<semaphore_mem>>) src(%dma_wait3A_365 : memref<160xf32, #tpu.memory_space<vmem>>) dst(%dma_wait3A_363 : memref<160xf32, #tpu.memory_space<hbm>>)
          tpu.yield
        }) : () -> ()
      } else {
      }
      %add3A_174 = arith.constant 2080 : i32
      %add3A_175 = arith.addi %multiple_of3A, %add3A_174 : i32
      %ge3A_176 = arith.constant 100000 : i32
      %ge3A_177 = arith.cmpi sge, %add3A_175, %ge3A_176 : i32
      %sub3A_178 = arith.constant 100000 : i32
      %sub3A_179 = arith.subi %add3A_175, %sub3A_178 : i32
      %select_n3A_180 = arith.select %ge3A_177, %sub3A_179, %add3A_175 : i32
      %ge3A_181 = arith.cmpi sge, %select_n3A_180, %mul3A_4 : i32
      %lt3A_182 = arith.cmpi slt, %select_n3A_180, %add3A_8 : i32
      %and3A_183 = arith.andi %ge3A_181, %lt3A_182 : i1
      %convert_element_type3A_184 = arith.extui %and3A_183 : i1 to i32
      %cond3A_185 = arith.constant 0 : i32
      %cond3A_186 = arith.cmpi ne, %convert_element_type3A_184, %cond3A_185 : i32
      scf.if %cond3A_186 {
        "tpu.region"() ({
          %run_scoped3A = tpu.sem_alloc : memref<!tpu.dma_semaphore, #tpu.memory_space<semaphore_mem>>
          %dma_start3A = arith.constant 2080 : i32
          %dma_start3A_356 = tpu.memref_slice %arg7[%dma_start3A] : memref<4480xf32, #tpu.memory_space<vmem>> -> memref<160xf32, #tpu.memory_space<vmem>>
          %dma_start3A_357 = tpu.memref_slice %arg5[%select_n3A_180] : memref<100000xf32, #tpu.memory_space<hbm>> -> memref<160xf32, #tpu.memory_space<hbm>>
          %dma_start3A_358 = tpu.memref_slice %arg5[%select_n3A_180] : memref<100000xf32, #tpu.memory_space<hbm>> -> memref<160xf32, #tpu.memory_space<hbm>>
          %dma_start3A_359 = arith.constant 2080 : i32
          %dma_start3A_360 = tpu.memref_slice %arg7[%dma_start3A_359] : memref<4480xf32, #tpu.memory_space<vmem>> -> memref<160xf32, #tpu.memory_space<vmem>>
          tpu.enqueue_dma source(%dma_start3A_360 : memref<160xf32, #tpu.memory_space<vmem>>) target(%dma_start3A_358 : memref<160xf32, #tpu.memory_space<hbm>>) target_semaphore(%run_scoped3A : memref<!tpu.dma_semaphore, #tpu.memory_space<semaphore_mem>>)
          %dma_wait3A = arith.constant 2080 : i32
          %dma_wait3A_361 = tpu.memref_slice %arg7[%dma_wait3A] : memref<4480xf32, #tpu.memory_space<vmem>> -> memref<160xf32, #tpu.memory_space<vmem>>
          %dma_wait3A_362 = tpu.memref_slice %arg5[%select_n3A_180] : memref<100000xf32, #tpu.memory_space<hbm>> -> memref<160xf32, #tpu.memory_space<hbm>>
          %dma_wait3A_363 = tpu.memref_slice %arg5[%select_n3A_180] : memref<100000xf32, #tpu.memory_space<hbm>> -> memref<160xf32, #tpu.memory_space<hbm>>
          %dma_wait3A_364 = arith.constant 2080 : i32
          %dma_wait3A_365 = tpu.memref_slice %arg7[%dma_wait3A_364] : memref<4480xf32, #tpu.memory_space<vmem>> -> memref<160xf32, #tpu.memory_space<vmem>>
          tpu.wait_dma2 semaphore(%run_scoped3A : memref<!tpu.dma_semaphore, #tpu.memory_space<semaphore_mem>>) src(%dma_wait3A_365 : memref<160xf32, #tpu.memory_space<vmem>>) dst(%dma_wait3A_363 : memref<160xf32, #tpu.memory_space<hbm>>)
          tpu.yield
        }) : () -> ()
      } else {
      }
      %add3A_187 = arith.constant 2240 : i32
      %add3A_188 = arith.addi %multiple_of3A, %add3A_187 : i32
      %ge3A_189 = arith.constant 100000 : i32
      %ge3A_190 = arith.cmpi sge, %add3A_188, %ge3A_189 : i32
      %sub3A_191 = arith.constant 100000 : i32
      %sub3A_192 = arith.subi %add3A_188, %sub3A_191 : i32
      %select_n3A_193 = arith.select %ge3A_190, %sub3A_192, %add3A_188 : i32
      %ge3A_194 = arith.cmpi sge, %select_n3A_193, %mul3A_4 : i32
      %lt3A_195 = arith.cmpi slt, %select_n3A_193, %add3A_8 : i32
      %and3A_196 = arith.andi %ge3A_194, %lt3A_195 : i1
      %convert_element_type3A_197 = arith.extui %and3A_196 : i1 to i32
      %cond3A_198 = arith.constant 0 : i32
      %cond3A_199 = arith.cmpi ne, %convert_element_type3A_197, %cond3A_198 : i32
      scf.if %cond3A_199 {
        "tpu.region"() ({
          %run_scoped3A = tpu.sem_alloc : memref<!tpu.dma_semaphore, #tpu.memory_space<semaphore_mem>>
          %dma_start3A = arith.constant 2240 : i32
          %dma_start3A_356 = tpu.memref_slice %arg7[%dma_start3A] : memref<4480xf32, #tpu.memory_space<vmem>> -> memref<160xf32, #tpu.memory_space<vmem>>
          %dma_start3A_357 = tpu.memref_slice %arg5[%select_n3A_193] : memref<100000xf32, #tpu.memory_space<hbm>> -> memref<160xf32, #tpu.memory_space<hbm>>
          %dma_start3A_358 = tpu.memref_slice %arg5[%select_n3A_193] : memref<100000xf32, #tpu.memory_space<hbm>> -> memref<160xf32, #tpu.memory_space<hbm>>
          %dma_start3A_359 = arith.constant 2240 : i32
          %dma_start3A_360 = tpu.memref_slice %arg7[%dma_start3A_359] : memref<4480xf32, #tpu.memory_space<vmem>> -> memref<160xf32, #tpu.memory_space<vmem>>
          tpu.enqueue_dma source(%dma_start3A_360 : memref<160xf32, #tpu.memory_space<vmem>>) target(%dma_start3A_358 : memref<160xf32, #tpu.memory_space<hbm>>) target_semaphore(%run_scoped3A : memref<!tpu.dma_semaphore, #tpu.memory_space<semaphore_mem>>)
          %dma_wait3A = arith.constant 2240 : i32
          %dma_wait3A_361 = tpu.memref_slice %arg7[%dma_wait3A] : memref<4480xf32, #tpu.memory_space<vmem>> -> memref<160xf32, #tpu.memory_space<vmem>>
          %dma_wait3A_362 = tpu.memref_slice %arg5[%select_n3A_193] : memref<100000xf32, #tpu.memory_space<hbm>> -> memref<160xf32, #tpu.memory_space<hbm>>
          %dma_wait3A_363 = tpu.memref_slice %arg5[%select_n3A_193] : memref<100000xf32, #tpu.memory_space<hbm>> -> memref<160xf32, #tpu.memory_space<hbm>>
          %dma_wait3A_364 = arith.constant 2240 : i32
          %dma_wait3A_365 = tpu.memref_slice %arg7[%dma_wait3A_364] : memref<4480xf32, #tpu.memory_space<vmem>> -> memref<160xf32, #tpu.memory_space<vmem>>
          tpu.wait_dma2 semaphore(%run_scoped3A : memref<!tpu.dma_semaphore, #tpu.memory_space<semaphore_mem>>) src(%dma_wait3A_365 : memref<160xf32, #tpu.memory_space<vmem>>) dst(%dma_wait3A_363 : memref<160xf32, #tpu.memory_space<hbm>>)
          tpu.yield
        }) : () -> ()
      } else {
      }
      %add3A_200 = arith.constant 2400 : i32
      %add3A_201 = arith.addi %multiple_of3A, %add3A_200 : i32
      %ge3A_202 = arith.constant 100000 : i32
      %ge3A_203 = arith.cmpi sge, %add3A_201, %ge3A_202 : i32
      %sub3A_204 = arith.constant 100000 : i32
      %sub3A_205 = arith.subi %add3A_201, %sub3A_204 : i32
      %select_n3A_206 = arith.select %ge3A_203, %sub3A_205, %add3A_201 : i32
      %ge3A_207 = arith.cmpi sge, %select_n3A_206, %mul3A_4 : i32
      %lt3A_208 = arith.cmpi slt, %select_n3A_206, %add3A_8 : i32
      %and3A_209 = arith.andi %ge3A_207, %lt3A_208 : i1
      %convert_element_type3A_210 = arith.extui %and3A_209 : i1 to i32
      %cond3A_211 = arith.constant 0 : i32
      %cond3A_212 = arith.cmpi ne, %convert_element_type3A_210, %cond3A_211 : i32
      scf.if %cond3A_212 {
        "tpu.region"() ({
          %run_scoped3A = tpu.sem_alloc : memref<!tpu.dma_semaphore, #tpu.memory_space<semaphore_mem>>
          %dma_start3A = arith.constant 2400 : i32
          %dma_start3A_356 = tpu.memref_slice %arg7[%dma_start3A] : memref<4480xf32, #tpu.memory_space<vmem>> -> memref<160xf32, #tpu.memory_space<vmem>>
          %dma_start3A_357 = tpu.memref_slice %arg5[%select_n3A_206] : memref<100000xf32, #tpu.memory_space<hbm>> -> memref<160xf32, #tpu.memory_space<hbm>>
          %dma_start3A_358 = tpu.memref_slice %arg5[%select_n3A_206] : memref<100000xf32, #tpu.memory_space<hbm>> -> memref<160xf32, #tpu.memory_space<hbm>>
          %dma_start3A_359 = arith.constant 2400 : i32
          %dma_start3A_360 = tpu.memref_slice %arg7[%dma_start3A_359] : memref<4480xf32, #tpu.memory_space<vmem>> -> memref<160xf32, #tpu.memory_space<vmem>>
          tpu.enqueue_dma source(%dma_start3A_360 : memref<160xf32, #tpu.memory_space<vmem>>) target(%dma_start3A_358 : memref<160xf32, #tpu.memory_space<hbm>>) target_semaphore(%run_scoped3A : memref<!tpu.dma_semaphore, #tpu.memory_space<semaphore_mem>>)
          %dma_wait3A = arith.constant 2400 : i32
          %dma_wait3A_361 = tpu.memref_slice %arg7[%dma_wait3A] : memref<4480xf32, #tpu.memory_space<vmem>> -> memref<160xf32, #tpu.memory_space<vmem>>
          %dma_wait3A_362 = tpu.memref_slice %arg5[%select_n3A_206] : memref<100000xf32, #tpu.memory_space<hbm>> -> memref<160xf32, #tpu.memory_space<hbm>>
          %dma_wait3A_363 = tpu.memref_slice %arg5[%select_n3A_206] : memref<100000xf32, #tpu.memory_space<hbm>> -> memref<160xf32, #tpu.memory_space<hbm>>
          %dma_wait3A_364 = arith.constant 2400 : i32
          %dma_wait3A_365 = tpu.memref_slice %arg7[%dma_wait3A_364] : memref<4480xf32, #tpu.memory_space<vmem>> -> memref<160xf32, #tpu.memory_space<vmem>>
          tpu.wait_dma2 semaphore(%run_scoped3A : memref<!tpu.dma_semaphore, #tpu.memory_space<semaphore_mem>>) src(%dma_wait3A_365 : memref<160xf32, #tpu.memory_space<vmem>>) dst(%dma_wait3A_363 : memref<160xf32, #tpu.memory_space<hbm>>)
          tpu.yield
        }) : () -> ()
      } else {
      }
      %add3A_213 = arith.constant 2560 : i32
      %add3A_214 = arith.addi %multiple_of3A, %add3A_213 : i32
      %ge3A_215 = arith.constant 100000 : i32
      %ge3A_216 = arith.cmpi sge, %add3A_214, %ge3A_215 : i32
      %sub3A_217 = arith.constant 100000 : i32
      %sub3A_218 = arith.subi %add3A_214, %sub3A_217 : i32
      %select_n3A_219 = arith.select %ge3A_216, %sub3A_218, %add3A_214 : i32
      %ge3A_220 = arith.cmpi sge, %select_n3A_219, %mul3A_4 : i32
      %lt3A_221 = arith.cmpi slt, %select_n3A_219, %add3A_8 : i32
      %and3A_222 = arith.andi %ge3A_220, %lt3A_221 : i1
      %convert_element_type3A_223 = arith.extui %and3A_222 : i1 to i32
      %cond3A_224 = arith.constant 0 : i32
      %cond3A_225 = arith.cmpi ne, %convert_element_type3A_223, %cond3A_224 : i32
      scf.if %cond3A_225 {
        "tpu.region"() ({
          %run_scoped3A = tpu.sem_alloc : memref<!tpu.dma_semaphore, #tpu.memory_space<semaphore_mem>>
          %dma_start3A = arith.constant 2560 : i32
          %dma_start3A_356 = tpu.memref_slice %arg7[%dma_start3A] : memref<4480xf32, #tpu.memory_space<vmem>> -> memref<160xf32, #tpu.memory_space<vmem>>
          %dma_start3A_357 = tpu.memref_slice %arg5[%select_n3A_219] : memref<100000xf32, #tpu.memory_space<hbm>> -> memref<160xf32, #tpu.memory_space<hbm>>
          %dma_start3A_358 = tpu.memref_slice %arg5[%select_n3A_219] : memref<100000xf32, #tpu.memory_space<hbm>> -> memref<160xf32, #tpu.memory_space<hbm>>
          %dma_start3A_359 = arith.constant 2560 : i32
          %dma_start3A_360 = tpu.memref_slice %arg7[%dma_start3A_359] : memref<4480xf32, #tpu.memory_space<vmem>> -> memref<160xf32, #tpu.memory_space<vmem>>
          tpu.enqueue_dma source(%dma_start3A_360 : memref<160xf32, #tpu.memory_space<vmem>>) target(%dma_start3A_358 : memref<160xf32, #tpu.memory_space<hbm>>) target_semaphore(%run_scoped3A : memref<!tpu.dma_semaphore, #tpu.memory_space<semaphore_mem>>)
          %dma_wait3A = arith.constant 2560 : i32
          %dma_wait3A_361 = tpu.memref_slice %arg7[%dma_wait3A] : memref<4480xf32, #tpu.memory_space<vmem>> -> memref<160xf32, #tpu.memory_space<vmem>>
          %dma_wait3A_362 = tpu.memref_slice %arg5[%select_n3A_219] : memref<100000xf32, #tpu.memory_space<hbm>> -> memref<160xf32, #tpu.memory_space<hbm>>
          %dma_wait3A_363 = tpu.memref_slice %arg5[%select_n3A_219] : memref<100000xf32, #tpu.memory_space<hbm>> -> memref<160xf32, #tpu.memory_space<hbm>>
          %dma_wait3A_364 = arith.constant 2560 : i32
          %dma_wait3A_365 = tpu.memref_slice %arg7[%dma_wait3A_364] : memref<4480xf32, #tpu.memory_space<vmem>> -> memref<160xf32, #tpu.memory_space<vmem>>
          tpu.wait_dma2 semaphore(%run_scoped3A : memref<!tpu.dma_semaphore, #tpu.memory_space<semaphore_mem>>) src(%dma_wait3A_365 : memref<160xf32, #tpu.memory_space<vmem>>) dst(%dma_wait3A_363 : memref<160xf32, #tpu.memory_space<hbm>>)
          tpu.yield
        }) : () -> ()
      } else {
      }
      %add3A_226 = arith.constant 2720 : i32
      %add3A_227 = arith.addi %multiple_of3A, %add3A_226 : i32
      %ge3A_228 = arith.constant 100000 : i32
      %ge3A_229 = arith.cmpi sge, %add3A_227, %ge3A_228 : i32
      %sub3A_230 = arith.constant 100000 : i32
      %sub3A_231 = arith.subi %add3A_227, %sub3A_230 : i32
      %select_n3A_232 = arith.select %ge3A_229, %sub3A_231, %add3A_227 : i32
      %ge3A_233 = arith.cmpi sge, %select_n3A_232, %mul3A_4 : i32
      %lt3A_234 = arith.cmpi slt, %select_n3A_232, %add3A_8 : i32
      %and3A_235 = arith.andi %ge3A_233, %lt3A_234 : i1
      %convert_element_type3A_236 = arith.extui %and3A_235 : i1 to i32
      %cond3A_237 = arith.constant 0 : i32
      %cond3A_238 = arith.cmpi ne, %convert_element_type3A_236, %cond3A_237 : i32
      scf.if %cond3A_238 {
        "tpu.region"() ({
          %run_scoped3A = tpu.sem_alloc : memref<!tpu.dma_semaphore, #tpu.memory_space<semaphore_mem>>
          %dma_start3A = arith.constant 2720 : i32
          %dma_start3A_356 = tpu.memref_slice %arg7[%dma_start3A] : memref<4480xf32, #tpu.memory_space<vmem>> -> memref<160xf32, #tpu.memory_space<vmem>>
          %dma_start3A_357 = tpu.memref_slice %arg5[%select_n3A_232] : memref<100000xf32, #tpu.memory_space<hbm>> -> memref<160xf32, #tpu.memory_space<hbm>>
          %dma_start3A_358 = tpu.memref_slice %arg5[%select_n3A_232] : memref<100000xf32, #tpu.memory_space<hbm>> -> memref<160xf32, #tpu.memory_space<hbm>>
          %dma_start3A_359 = arith.constant 2720 : i32
          %dma_start3A_360 = tpu.memref_slice %arg7[%dma_start3A_359] : memref<4480xf32, #tpu.memory_space<vmem>> -> memref<160xf32, #tpu.memory_space<vmem>>
          tpu.enqueue_dma source(%dma_start3A_360 : memref<160xf32, #tpu.memory_space<vmem>>) target(%dma_start3A_358 : memref<160xf32, #tpu.memory_space<hbm>>) target_semaphore(%run_scoped3A : memref<!tpu.dma_semaphore, #tpu.memory_space<semaphore_mem>>)
          %dma_wait3A = arith.constant 2720 : i32
          %dma_wait3A_361 = tpu.memref_slice %arg7[%dma_wait3A] : memref<4480xf32, #tpu.memory_space<vmem>> -> memref<160xf32, #tpu.memory_space<vmem>>
          %dma_wait3A_362 = tpu.memref_slice %arg5[%select_n3A_232] : memref<100000xf32, #tpu.memory_space<hbm>> -> memref<160xf32, #tpu.memory_space<hbm>>
          %dma_wait3A_363 = tpu.memref_slice %arg5[%select_n3A_232] : memref<100000xf32, #tpu.memory_space<hbm>> -> memref<160xf32, #tpu.memory_space<hbm>>
          %dma_wait3A_364 = arith.constant 2720 : i32
          %dma_wait3A_365 = tpu.memref_slice %arg7[%dma_wait3A_364] : memref<4480xf32, #tpu.memory_space<vmem>> -> memref<160xf32, #tpu.memory_space<vmem>>
          tpu.wait_dma2 semaphore(%run_scoped3A : memref<!tpu.dma_semaphore, #tpu.memory_space<semaphore_mem>>) src(%dma_wait3A_365 : memref<160xf32, #tpu.memory_space<vmem>>) dst(%dma_wait3A_363 : memref<160xf32, #tpu.memory_space<hbm>>)
          tpu.yield
        }) : () -> ()
      } else {
      }
      %add3A_239 = arith.constant 2880 : i32
      %add3A_240 = arith.addi %multiple_of3A, %add3A_239 : i32
      %ge3A_241 = arith.constant 100000 : i32
      %ge3A_242 = arith.cmpi sge, %add3A_240, %ge3A_241 : i32
      %sub3A_243 = arith.constant 100000 : i32
      %sub3A_244 = arith.subi %add3A_240, %sub3A_243 : i32
      %select_n3A_245 = arith.select %ge3A_242, %sub3A_244, %add3A_240 : i32
      %ge3A_246 = arith.cmpi sge, %select_n3A_245, %mul3A_4 : i32
      %lt3A_247 = arith.cmpi slt, %select_n3A_245, %add3A_8 : i32
      %and3A_248 = arith.andi %ge3A_246, %lt3A_247 : i1
      %convert_element_type3A_249 = arith.extui %and3A_248 : i1 to i32
      %cond3A_250 = arith.constant 0 : i32
      %cond3A_251 = arith.cmpi ne, %convert_element_type3A_249, %cond3A_250 : i32
      scf.if %cond3A_251 {
        "tpu.region"() ({
          %run_scoped3A = tpu.sem_alloc : memref<!tpu.dma_semaphore, #tpu.memory_space<semaphore_mem>>
          %dma_start3A = arith.constant 2880 : i32
          %dma_start3A_356 = tpu.memref_slice %arg7[%dma_start3A] : memref<4480xf32, #tpu.memory_space<vmem>> -> memref<160xf32, #tpu.memory_space<vmem>>
          %dma_start3A_357 = tpu.memref_slice %arg5[%select_n3A_245] : memref<100000xf32, #tpu.memory_space<hbm>> -> memref<160xf32, #tpu.memory_space<hbm>>
          %dma_start3A_358 = tpu.memref_slice %arg5[%select_n3A_245] : memref<100000xf32, #tpu.memory_space<hbm>> -> memref<160xf32, #tpu.memory_space<hbm>>
          %dma_start3A_359 = arith.constant 2880 : i32
          %dma_start3A_360 = tpu.memref_slice %arg7[%dma_start3A_359] : memref<4480xf32, #tpu.memory_space<vmem>> -> memref<160xf32, #tpu.memory_space<vmem>>
          tpu.enqueue_dma source(%dma_start3A_360 : memref<160xf32, #tpu.memory_space<vmem>>) target(%dma_start3A_358 : memref<160xf32, #tpu.memory_space<hbm>>) target_semaphore(%run_scoped3A : memref<!tpu.dma_semaphore, #tpu.memory_space<semaphore_mem>>)
          %dma_wait3A = arith.constant 2880 : i32
          %dma_wait3A_361 = tpu.memref_slice %arg7[%dma_wait3A] : memref<4480xf32, #tpu.memory_space<vmem>> -> memref<160xf32, #tpu.memory_space<vmem>>
          %dma_wait3A_362 = tpu.memref_slice %arg5[%select_n3A_245] : memref<100000xf32, #tpu.memory_space<hbm>> -> memref<160xf32, #tpu.memory_space<hbm>>
          %dma_wait3A_363 = tpu.memref_slice %arg5[%select_n3A_245] : memref<100000xf32, #tpu.memory_space<hbm>> -> memref<160xf32, #tpu.memory_space<hbm>>
          %dma_wait3A_364 = arith.constant 2880 : i32
          %dma_wait3A_365 = tpu.memref_slice %arg7[%dma_wait3A_364] : memref<4480xf32, #tpu.memory_space<vmem>> -> memref<160xf32, #tpu.memory_space<vmem>>
          tpu.wait_dma2 semaphore(%run_scoped3A : memref<!tpu.dma_semaphore, #tpu.memory_space<semaphore_mem>>) src(%dma_wait3A_365 : memref<160xf32, #tpu.memory_space<vmem>>) dst(%dma_wait3A_363 : memref<160xf32, #tpu.memory_space<hbm>>)
          tpu.yield
        }) : () -> ()
      } else {
      }
      %add3A_252 = arith.constant 3040 : i32
      %add3A_253 = arith.addi %multiple_of3A, %add3A_252 : i32
      %ge3A_254 = arith.constant 100000 : i32
      %ge3A_255 = arith.cmpi sge, %add3A_253, %ge3A_254 : i32
      %sub3A_256 = arith.constant 100000 : i32
      %sub3A_257 = arith.subi %add3A_253, %sub3A_256 : i32
      %select_n3A_258 = arith.select %ge3A_255, %sub3A_257, %add3A_253 : i32
      %ge3A_259 = arith.cmpi sge, %select_n3A_258, %mul3A_4 : i32
      %lt3A_260 = arith.cmpi slt, %select_n3A_258, %add3A_8 : i32
      %and3A_261 = arith.andi %ge3A_259, %lt3A_260 : i1
      %convert_element_type3A_262 = arith.extui %and3A_261 : i1 to i32
      %cond3A_263 = arith.constant 0 : i32
      %cond3A_264 = arith.cmpi ne, %convert_element_type3A_262, %cond3A_263 : i32
      scf.if %cond3A_264 {
        "tpu.region"() ({
          %run_scoped3A = tpu.sem_alloc : memref<!tpu.dma_semaphore, #tpu.memory_space<semaphore_mem>>
          %dma_start3A = arith.constant 3040 : i32
          %dma_start3A_356 = tpu.memref_slice %arg7[%dma_start3A] : memref<4480xf32, #tpu.memory_space<vmem>> -> memref<160xf32, #tpu.memory_space<vmem>>
          %dma_start3A_357 = tpu.memref_slice %arg5[%select_n3A_258] : memref<100000xf32, #tpu.memory_space<hbm>> -> memref<160xf32, #tpu.memory_space<hbm>>
          %dma_start3A_358 = tpu.memref_slice %arg5[%select_n3A_258] : memref<100000xf32, #tpu.memory_space<hbm>> -> memref<160xf32, #tpu.memory_space<hbm>>
          %dma_start3A_359 = arith.constant 3040 : i32
          %dma_start3A_360 = tpu.memref_slice %arg7[%dma_start3A_359] : memref<4480xf32, #tpu.memory_space<vmem>> -> memref<160xf32, #tpu.memory_space<vmem>>
          tpu.enqueue_dma source(%dma_start3A_360 : memref<160xf32, #tpu.memory_space<vmem>>) target(%dma_start3A_358 : memref<160xf32, #tpu.memory_space<hbm>>) target_semaphore(%run_scoped3A : memref<!tpu.dma_semaphore, #tpu.memory_space<semaphore_mem>>)
          %dma_wait3A = arith.constant 3040 : i32
          %dma_wait3A_361 = tpu.memref_slice %arg7[%dma_wait3A] : memref<4480xf32, #tpu.memory_space<vmem>> -> memref<160xf32, #tpu.memory_space<vmem>>
          %dma_wait3A_362 = tpu.memref_slice %arg5[%select_n3A_258] : memref<100000xf32, #tpu.memory_space<hbm>> -> memref<160xf32, #tpu.memory_space<hbm>>
          %dma_wait3A_363 = tpu.memref_slice %arg5[%select_n3A_258] : memref<100000xf32, #tpu.memory_space<hbm>> -> memref<160xf32, #tpu.memory_space<hbm>>
          %dma_wait3A_364 = arith.constant 3040 : i32
          %dma_wait3A_365 = tpu.memref_slice %arg7[%dma_wait3A_364] : memref<4480xf32, #tpu.memory_space<vmem>> -> memref<160xf32, #tpu.memory_space<vmem>>
          tpu.wait_dma2 semaphore(%run_scoped3A : memref<!tpu.dma_semaphore, #tpu.memory_space<semaphore_mem>>) src(%dma_wait3A_365 : memref<160xf32, #tpu.memory_space<vmem>>) dst(%dma_wait3A_363 : memref<160xf32, #tpu.memory_space<hbm>>)
          tpu.yield
        }) : () -> ()
      } else {
      }
      %add3A_265 = arith.constant 3200 : i32
      %add3A_266 = arith.addi %multiple_of3A, %add3A_265 : i32
      %ge3A_267 = arith.constant 100000 : i32
      %ge3A_268 = arith.cmpi sge, %add3A_266, %ge3A_267 : i32
      %sub3A_269 = arith.constant 100000 : i32
      %sub3A_270 = arith.subi %add3A_266, %sub3A_269 : i32
      %select_n3A_271 = arith.select %ge3A_268, %sub3A_270, %add3A_266 : i32
      %ge3A_272 = arith.cmpi sge, %select_n3A_271, %mul3A_4 : i32
      %lt3A_273 = arith.cmpi slt, %select_n3A_271, %add3A_8 : i32
      %and3A_274 = arith.andi %ge3A_272, %lt3A_273 : i1
      %convert_element_type3A_275 = arith.extui %and3A_274 : i1 to i32
      %cond3A_276 = arith.constant 0 : i32
      %cond3A_277 = arith.cmpi ne, %convert_element_type3A_275, %cond3A_276 : i32
      scf.if %cond3A_277 {
        "tpu.region"() ({
          %run_scoped3A = tpu.sem_alloc : memref<!tpu.dma_semaphore, #tpu.memory_space<semaphore_mem>>
          %dma_start3A = arith.constant 3200 : i32
          %dma_start3A_356 = tpu.memref_slice %arg7[%dma_start3A] : memref<4480xf32, #tpu.memory_space<vmem>> -> memref<160xf32, #tpu.memory_space<vmem>>
          %dma_start3A_357 = tpu.memref_slice %arg5[%select_n3A_271] : memref<100000xf32, #tpu.memory_space<hbm>> -> memref<160xf32, #tpu.memory_space<hbm>>
          %dma_start3A_358 = tpu.memref_slice %arg5[%select_n3A_271] : memref<100000xf32, #tpu.memory_space<hbm>> -> memref<160xf32, #tpu.memory_space<hbm>>
          %dma_start3A_359 = arith.constant 3200 : i32
          %dma_start3A_360 = tpu.memref_slice %arg7[%dma_start3A_359] : memref<4480xf32, #tpu.memory_space<vmem>> -> memref<160xf32, #tpu.memory_space<vmem>>
          tpu.enqueue_dma source(%dma_start3A_360 : memref<160xf32, #tpu.memory_space<vmem>>) target(%dma_start3A_358 : memref<160xf32, #tpu.memory_space<hbm>>) target_semaphore(%run_scoped3A : memref<!tpu.dma_semaphore, #tpu.memory_space<semaphore_mem>>)
          %dma_wait3A = arith.constant 3200 : i32
          %dma_wait3A_361 = tpu.memref_slice %arg7[%dma_wait3A] : memref<4480xf32, #tpu.memory_space<vmem>> -> memref<160xf32, #tpu.memory_space<vmem>>
          %dma_wait3A_362 = tpu.memref_slice %arg5[%select_n3A_271] : memref<100000xf32, #tpu.memory_space<hbm>> -> memref<160xf32, #tpu.memory_space<hbm>>
          %dma_wait3A_363 = tpu.memref_slice %arg5[%select_n3A_271] : memref<100000xf32, #tpu.memory_space<hbm>> -> memref<160xf32, #tpu.memory_space<hbm>>
          %dma_wait3A_364 = arith.constant 3200 : i32
          %dma_wait3A_365 = tpu.memref_slice %arg7[%dma_wait3A_364] : memref<4480xf32, #tpu.memory_space<vmem>> -> memref<160xf32, #tpu.memory_space<vmem>>
          tpu.wait_dma2 semaphore(%run_scoped3A : memref<!tpu.dma_semaphore, #tpu.memory_space<semaphore_mem>>) src(%dma_wait3A_365 : memref<160xf32, #tpu.memory_space<vmem>>) dst(%dma_wait3A_363 : memref<160xf32, #tpu.memory_space<hbm>>)
          tpu.yield
        }) : () -> ()
      } else {
      }
      %add3A_278 = arith.constant 3360 : i32
      %add3A_279 = arith.addi %multiple_of3A, %add3A_278 : i32
      %ge3A_280 = arith.constant 100000 : i32
      %ge3A_281 = arith.cmpi sge, %add3A_279, %ge3A_280 : i32
      %sub3A_282 = arith.constant 100000 : i32
      %sub3A_283 = arith.subi %add3A_279, %sub3A_282 : i32
      %select_n3A_284 = arith.select %ge3A_281, %sub3A_283, %add3A_279 : i32
      %ge3A_285 = arith.cmpi sge, %select_n3A_284, %mul3A_4 : i32
      %lt3A_286 = arith.cmpi slt, %select_n3A_284, %add3A_8 : i32
      %and3A_287 = arith.andi %ge3A_285, %lt3A_286 : i1
      %convert_element_type3A_288 = arith.extui %and3A_287 : i1 to i32
      %cond3A_289 = arith.constant 0 : i32
      %cond3A_290 = arith.cmpi ne, %convert_element_type3A_288, %cond3A_289 : i32
      scf.if %cond3A_290 {
        "tpu.region"() ({
          %run_scoped3A = tpu.sem_alloc : memref<!tpu.dma_semaphore, #tpu.memory_space<semaphore_mem>>
          %dma_start3A = arith.constant 3360 : i32
          %dma_start3A_356 = tpu.memref_slice %arg7[%dma_start3A] : memref<4480xf32, #tpu.memory_space<vmem>> -> memref<160xf32, #tpu.memory_space<vmem>>
          %dma_start3A_357 = tpu.memref_slice %arg5[%select_n3A_284] : memref<100000xf32, #tpu.memory_space<hbm>> -> memref<160xf32, #tpu.memory_space<hbm>>
          %dma_start3A_358 = tpu.memref_slice %arg5[%select_n3A_284] : memref<100000xf32, #tpu.memory_space<hbm>> -> memref<160xf32, #tpu.memory_space<hbm>>
          %dma_start3A_359 = arith.constant 3360 : i32
          %dma_start3A_360 = tpu.memref_slice %arg7[%dma_start3A_359] : memref<4480xf32, #tpu.memory_space<vmem>> -> memref<160xf32, #tpu.memory_space<vmem>>
          tpu.enqueue_dma source(%dma_start3A_360 : memref<160xf32, #tpu.memory_space<vmem>>) target(%dma_start3A_358 : memref<160xf32, #tpu.memory_space<hbm>>) target_semaphore(%run_scoped3A : memref<!tpu.dma_semaphore, #tpu.memory_space<semaphore_mem>>)
          %dma_wait3A = arith.constant 3360 : i32
          %dma_wait3A_361 = tpu.memref_slice %arg7[%dma_wait3A] : memref<4480xf32, #tpu.memory_space<vmem>> -> memref<160xf32, #tpu.memory_space<vmem>>
          %dma_wait3A_362 = tpu.memref_slice %arg5[%select_n3A_284] : memref<100000xf32, #tpu.memory_space<hbm>> -> memref<160xf32, #tpu.memory_space<hbm>>
          %dma_wait3A_363 = tpu.memref_slice %arg5[%select_n3A_284] : memref<100000xf32, #tpu.memory_space<hbm>> -> memref<160xf32, #tpu.memory_space<hbm>>
          %dma_wait3A_364 = arith.constant 3360 : i32
          %dma_wait3A_365 = tpu.memref_slice %arg7[%dma_wait3A_364] : memref<4480xf32, #tpu.memory_space<vmem>> -> memref<160xf32, #tpu.memory_space<vmem>>
          tpu.wait_dma2 semaphore(%run_scoped3A : memref<!tpu.dma_semaphore, #tpu.memory_space<semaphore_mem>>) src(%dma_wait3A_365 : memref<160xf32, #tpu.memory_space<vmem>>) dst(%dma_wait3A_363 : memref<160xf32, #tpu.memory_space<hbm>>)
          tpu.yield
        }) : () -> ()
      } else {
      }
      %add3A_291 = arith.constant 3520 : i32
      %add3A_292 = arith.addi %multiple_of3A, %add3A_291 : i32
      %ge3A_293 = arith.constant 100000 : i32
      %ge3A_294 = arith.cmpi sge, %add3A_292, %ge3A_293 : i32
      %sub3A_295 = arith.constant 100000 : i32
      %sub3A_296 = arith.subi %add3A_292, %sub3A_295 : i32
      %select_n3A_297 = arith.select %ge3A_294, %sub3A_296, %add3A_292 : i32
      %ge3A_298 = arith.cmpi sge, %select_n3A_297, %mul3A_4 : i32
      %lt3A_299 = arith.cmpi slt, %select_n3A_297, %add3A_8 : i32
      %and3A_300 = arith.andi %ge3A_298, %lt3A_299 : i1
      %convert_element_type3A_301 = arith.extui %and3A_300 : i1 to i32
      %cond3A_302 = arith.constant 0 : i32
      %cond3A_303 = arith.cmpi ne, %convert_element_type3A_301, %cond3A_302 : i32
      scf.if %cond3A_303 {
        "tpu.region"() ({
          %run_scoped3A = tpu.sem_alloc : memref<!tpu.dma_semaphore, #tpu.memory_space<semaphore_mem>>
          %dma_start3A = arith.constant 3520 : i32
          %dma_start3A_356 = tpu.memref_slice %arg7[%dma_start3A] : memref<4480xf32, #tpu.memory_space<vmem>> -> memref<160xf32, #tpu.memory_space<vmem>>
          %dma_start3A_357 = tpu.memref_slice %arg5[%select_n3A_297] : memref<100000xf32, #tpu.memory_space<hbm>> -> memref<160xf32, #tpu.memory_space<hbm>>
          %dma_start3A_358 = tpu.memref_slice %arg5[%select_n3A_297] : memref<100000xf32, #tpu.memory_space<hbm>> -> memref<160xf32, #tpu.memory_space<hbm>>
          %dma_start3A_359 = arith.constant 3520 : i32
          %dma_start3A_360 = tpu.memref_slice %arg7[%dma_start3A_359] : memref<4480xf32, #tpu.memory_space<vmem>> -> memref<160xf32, #tpu.memory_space<vmem>>
          tpu.enqueue_dma source(%dma_start3A_360 : memref<160xf32, #tpu.memory_space<vmem>>) target(%dma_start3A_358 : memref<160xf32, #tpu.memory_space<hbm>>) target_semaphore(%run_scoped3A : memref<!tpu.dma_semaphore, #tpu.memory_space<semaphore_mem>>)
          %dma_wait3A = arith.constant 3520 : i32
          %dma_wait3A_361 = tpu.memref_slice %arg7[%dma_wait3A] : memref<4480xf32, #tpu.memory_space<vmem>> -> memref<160xf32, #tpu.memory_space<vmem>>
          %dma_wait3A_362 = tpu.memref_slice %arg5[%select_n3A_297] : memref<100000xf32, #tpu.memory_space<hbm>> -> memref<160xf32, #tpu.memory_space<hbm>>
          %dma_wait3A_363 = tpu.memref_slice %arg5[%select_n3A_297] : memref<100000xf32, #tpu.memory_space<hbm>> -> memref<160xf32, #tpu.memory_space<hbm>>
          %dma_wait3A_364 = arith.constant 3520 : i32
          %dma_wait3A_365 = tpu.memref_slice %arg7[%dma_wait3A_364] : memref<4480xf32, #tpu.memory_space<vmem>> -> memref<160xf32, #tpu.memory_space<vmem>>
          tpu.wait_dma2 semaphore(%run_scoped3A : memref<!tpu.dma_semaphore, #tpu.memory_space<semaphore_mem>>) src(%dma_wait3A_365 : memref<160xf32, #tpu.memory_space<vmem>>) dst(%dma_wait3A_363 : memref<160xf32, #tpu.memory_space<hbm>>)
          tpu.yield
        }) : () -> ()
      } else {
      }
      %add3A_304 = arith.constant 3680 : i32
      %add3A_305 = arith.addi %multiple_of3A, %add3A_304 : i32
      %ge3A_306 = arith.constant 100000 : i32
      %ge3A_307 = arith.cmpi sge, %add3A_305, %ge3A_306 : i32
      %sub3A_308 = arith.constant 100000 : i32
      %sub3A_309 = arith.subi %add3A_305, %sub3A_308 : i32
      %select_n3A_310 = arith.select %ge3A_307, %sub3A_309, %add3A_305 : i32
      %ge3A_311 = arith.cmpi sge, %select_n3A_310, %mul3A_4 : i32
      %lt3A_312 = arith.cmpi slt, %select_n3A_310, %add3A_8 : i32
      %and3A_313 = arith.andi %ge3A_311, %lt3A_312 : i1
      %convert_element_type3A_314 = arith.extui %and3A_313 : i1 to i32
      %cond3A_315 = arith.constant 0 : i32
      %cond3A_316 = arith.cmpi ne, %convert_element_type3A_314, %cond3A_315 : i32
      scf.if %cond3A_316 {
        "tpu.region"() ({
          %run_scoped3A = tpu.sem_alloc : memref<!tpu.dma_semaphore, #tpu.memory_space<semaphore_mem>>
          %dma_start3A = arith.constant 3680 : i32
          %dma_start3A_356 = tpu.memref_slice %arg7[%dma_start3A] : memref<4480xf32, #tpu.memory_space<vmem>> -> memref<160xf32, #tpu.memory_space<vmem>>
          %dma_start3A_357 = tpu.memref_slice %arg5[%select_n3A_310] : memref<100000xf32, #tpu.memory_space<hbm>> -> memref<160xf32, #tpu.memory_space<hbm>>
          %dma_start3A_358 = tpu.memref_slice %arg5[%select_n3A_310] : memref<100000xf32, #tpu.memory_space<hbm>> -> memref<160xf32, #tpu.memory_space<hbm>>
          %dma_start3A_359 = arith.constant 3680 : i32
          %dma_start3A_360 = tpu.memref_slice %arg7[%dma_start3A_359] : memref<4480xf32, #tpu.memory_space<vmem>> -> memref<160xf32, #tpu.memory_space<vmem>>
          tpu.enqueue_dma source(%dma_start3A_360 : memref<160xf32, #tpu.memory_space<vmem>>) target(%dma_start3A_358 : memref<160xf32, #tpu.memory_space<hbm>>) target_semaphore(%run_scoped3A : memref<!tpu.dma_semaphore, #tpu.memory_space<semaphore_mem>>)
          %dma_wait3A = arith.constant 3680 : i32
          %dma_wait3A_361 = tpu.memref_slice %arg7[%dma_wait3A] : memref<4480xf32, #tpu.memory_space<vmem>> -> memref<160xf32, #tpu.memory_space<vmem>>
          %dma_wait3A_362 = tpu.memref_slice %arg5[%select_n3A_310] : memref<100000xf32, #tpu.memory_space<hbm>> -> memref<160xf32, #tpu.memory_space<hbm>>
          %dma_wait3A_363 = tpu.memref_slice %arg5[%select_n3A_310] : memref<100000xf32, #tpu.memory_space<hbm>> -> memref<160xf32, #tpu.memory_space<hbm>>
          %dma_wait3A_364 = arith.constant 3680 : i32
          %dma_wait3A_365 = tpu.memref_slice %arg7[%dma_wait3A_364] : memref<4480xf32, #tpu.memory_space<vmem>> -> memref<160xf32, #tpu.memory_space<vmem>>
          tpu.wait_dma2 semaphore(%run_scoped3A : memref<!tpu.dma_semaphore, #tpu.memory_space<semaphore_mem>>) src(%dma_wait3A_365 : memref<160xf32, #tpu.memory_space<vmem>>) dst(%dma_wait3A_363 : memref<160xf32, #tpu.memory_space<hbm>>)
          tpu.yield
        }) : () -> ()
      } else {
      }
      %add3A_317 = arith.constant 3840 : i32
      %add3A_318 = arith.addi %multiple_of3A, %add3A_317 : i32
      %ge3A_319 = arith.constant 100000 : i32
      %ge3A_320 = arith.cmpi sge, %add3A_318, %ge3A_319 : i32
      %sub3A_321 = arith.constant 100000 : i32
      %sub3A_322 = arith.subi %add3A_318, %sub3A_321 : i32
      %select_n3A_323 = arith.select %ge3A_320, %sub3A_322, %add3A_318 : i32
      %ge3A_324 = arith.cmpi sge, %select_n3A_323, %mul3A_4 : i32
      %lt3A_325 = arith.cmpi slt, %select_n3A_323, %add3A_8 : i32
      %and3A_326 = arith.andi %ge3A_324, %lt3A_325 : i1
      %convert_element_type3A_327 = arith.extui %and3A_326 : i1 to i32
      %cond3A_328 = arith.constant 0 : i32
      %cond3A_329 = arith.cmpi ne, %convert_element_type3A_327, %cond3A_328 : i32
      scf.if %cond3A_329 {
        "tpu.region"() ({
          %run_scoped3A = tpu.sem_alloc : memref<!tpu.dma_semaphore, #tpu.memory_space<semaphore_mem>>
          %dma_start3A = arith.constant 3840 : i32
          %dma_start3A_356 = tpu.memref_slice %arg7[%dma_start3A] : memref<4480xf32, #tpu.memory_space<vmem>> -> memref<160xf32, #tpu.memory_space<vmem>>
          %dma_start3A_357 = tpu.memref_slice %arg5[%select_n3A_323] : memref<100000xf32, #tpu.memory_space<hbm>> -> memref<160xf32, #tpu.memory_space<hbm>>
          %dma_start3A_358 = tpu.memref_slice %arg5[%select_n3A_323] : memref<100000xf32, #tpu.memory_space<hbm>> -> memref<160xf32, #tpu.memory_space<hbm>>
          %dma_start3A_359 = arith.constant 3840 : i32
          %dma_start3A_360 = tpu.memref_slice %arg7[%dma_start3A_359] : memref<4480xf32, #tpu.memory_space<vmem>> -> memref<160xf32, #tpu.memory_space<vmem>>
          tpu.enqueue_dma source(%dma_start3A_360 : memref<160xf32, #tpu.memory_space<vmem>>) target(%dma_start3A_358 : memref<160xf32, #tpu.memory_space<hbm>>) target_semaphore(%run_scoped3A : memref<!tpu.dma_semaphore, #tpu.memory_space<semaphore_mem>>)
          %dma_wait3A = arith.constant 3840 : i32
          %dma_wait3A_361 = tpu.memref_slice %arg7[%dma_wait3A] : memref<4480xf32, #tpu.memory_space<vmem>> -> memref<160xf32, #tpu.memory_space<vmem>>
          %dma_wait3A_362 = tpu.memref_slice %arg5[%select_n3A_323] : memref<100000xf32, #tpu.memory_space<hbm>> -> memref<160xf32, #tpu.memory_space<hbm>>
          %dma_wait3A_363 = tpu.memref_slice %arg5[%select_n3A_323] : memref<100000xf32, #tpu.memory_space<hbm>> -> memref<160xf32, #tpu.memory_space<hbm>>
          %dma_wait3A_364 = arith.constant 3840 : i32
          %dma_wait3A_365 = tpu.memref_slice %arg7[%dma_wait3A_364] : memref<4480xf32, #tpu.memory_space<vmem>> -> memref<160xf32, #tpu.memory_space<vmem>>
          tpu.wait_dma2 semaphore(%run_scoped3A : memref<!tpu.dma_semaphore, #tpu.memory_space<semaphore_mem>>) src(%dma_wait3A_365 : memref<160xf32, #tpu.memory_space<vmem>>) dst(%dma_wait3A_363 : memref<160xf32, #tpu.memory_space<hbm>>)
          tpu.yield
        }) : () -> ()
      } else {
      }
      %add3A_330 = arith.constant 4000 : i32
      %add3A_331 = arith.addi %multiple_of3A, %add3A_330 : i32
      %ge3A_332 = arith.constant 100000 : i32
      %ge3A_333 = arith.cmpi sge, %add3A_331, %ge3A_332 : i32
      %sub3A_334 = arith.constant 100000 : i32
      %sub3A_335 = arith.subi %add3A_331, %sub3A_334 : i32
      %select_n3A_336 = arith.select %ge3A_333, %sub3A_335, %add3A_331 : i32
      %ge3A_337 = arith.cmpi sge, %select_n3A_336, %mul3A_4 : i32
      %lt3A_338 = arith.cmpi slt, %select_n3A_336, %add3A_8 : i32
      %and3A_339 = arith.andi %ge3A_337, %lt3A_338 : i1
      %convert_element_type3A_340 = arith.extui %and3A_339 : i1 to i32
      %cond3A_341 = arith.constant 0 : i32
      %cond3A_342 = arith.cmpi ne, %convert_element_type3A_340, %cond3A_341 : i32
      scf.if %cond3A_342 {
        "tpu.region"() ({
          %run_scoped3A = tpu.sem_alloc : memref<!tpu.dma_semaphore, #tpu.memory_space<semaphore_mem>>
          %dma_start3A = arith.constant 4000 : i32
          %dma_start3A_356 = tpu.memref_slice %arg7[%dma_start3A] : memref<4480xf32, #tpu.memory_space<vmem>> -> memref<160xf32, #tpu.memory_space<vmem>>
          %dma_start3A_357 = tpu.memref_slice %arg5[%select_n3A_336] : memref<100000xf32, #tpu.memory_space<hbm>> -> memref<160xf32, #tpu.memory_space<hbm>>
          %dma_start3A_358 = tpu.memref_slice %arg5[%select_n3A_336] : memref<100000xf32, #tpu.memory_space<hbm>> -> memref<160xf32, #tpu.memory_space<hbm>>
          %dma_start3A_359 = arith.constant 4000 : i32
          %dma_start3A_360 = tpu.memref_slice %arg7[%dma_start3A_359] : memref<4480xf32, #tpu.memory_space<vmem>> -> memref<160xf32, #tpu.memory_space<vmem>>
          tpu.enqueue_dma source(%dma_start3A_360 : memref<160xf32, #tpu.memory_space<vmem>>) target(%dma_start3A_358 : memref<160xf32, #tpu.memory_space<hbm>>) target_semaphore(%run_scoped3A : memref<!tpu.dma_semaphore, #tpu.memory_space<semaphore_mem>>)
          %dma_wait3A = arith.constant 4000 : i32
          %dma_wait3A_361 = tpu.memref_slice %arg7[%dma_wait3A] : memref<4480xf32, #tpu.memory_space<vmem>> -> memref<160xf32, #tpu.memory_space<vmem>>
          %dma_wait3A_362 = tpu.memref_slice %arg5[%select_n3A_336] : memref<100000xf32, #tpu.memory_space<hbm>> -> memref<160xf32, #tpu.memory_space<hbm>>
          %dma_wait3A_363 = tpu.memref_slice %arg5[%select_n3A_336] : memref<100000xf32, #tpu.memory_space<hbm>> -> memref<160xf32, #tpu.memory_space<hbm>>
          %dma_wait3A_364 = arith.constant 4000 : i32
          %dma_wait3A_365 = tpu.memref_slice %arg7[%dma_wait3A_364] : memref<4480xf32, #tpu.memory_space<vmem>> -> memref<160xf32, #tpu.memory_space<vmem>>
          tpu.wait_dma2 semaphore(%run_scoped3A : memref<!tpu.dma_semaphore, #tpu.memory_space<semaphore_mem>>) src(%dma_wait3A_365 : memref<160xf32, #tpu.memory_space<vmem>>) dst(%dma_wait3A_363 : memref<160xf32, #tpu.memory_space<hbm>>)
          tpu.yield
        }) : () -> ()
      } else {
      }
      %add3A_343 = arith.constant 4160 : i32
      %add3A_344 = arith.addi %multiple_of3A, %add3A_343 : i32
      %ge3A_345 = arith.constant 100000 : i32
      %ge3A_346 = arith.cmpi sge, %add3A_344, %ge3A_345 : i32
      %sub3A_347 = arith.constant 100000 : i32
      %sub3A_348 = arith.subi %add3A_344, %sub3A_347 : i32
      %select_n3A_349 = arith.select %ge3A_346, %sub3A_348, %add3A_344 : i32
      %ge3A_350 = arith.cmpi sge, %select_n3A_349, %mul3A_4 : i32
      %lt3A_351 = arith.cmpi slt, %select_n3A_349, %add3A_8 : i32
      %and3A_352 = arith.andi %ge3A_350, %lt3A_351 : i1
      %convert_element_type3A_353 = arith.extui %and3A_352 : i1 to i32
      %cond3A_354 = arith.constant 0 : i32
      %cond3A_355 = arith.cmpi ne, %convert_element_type3A_353, %cond3A_354 : i32
      scf.if %cond3A_355 {
        "tpu.region"() ({
          %run_scoped3A = tpu.sem_alloc : memref<!tpu.dma_semaphore, #tpu.memory_space<semaphore_mem>>
          %dma_start3A = arith.constant 4160 : i32
          %dma_start3A_356 = tpu.memref_slice %arg7[%dma_start3A] : memref<4480xf32, #tpu.memory_space<vmem>> -> memref<160xf32, #tpu.memory_space<vmem>>
          %dma_start3A_357 = tpu.memref_slice %arg5[%select_n3A_349] : memref<100000xf32, #tpu.memory_space<hbm>> -> memref<160xf32, #tpu.memory_space<hbm>>
          %dma_start3A_358 = tpu.memref_slice %arg5[%select_n3A_349] : memref<100000xf32, #tpu.memory_space<hbm>> -> memref<160xf32, #tpu.memory_space<hbm>>
          %dma_start3A_359 = arith.constant 4160 : i32
          %dma_start3A_360 = tpu.memref_slice %arg7[%dma_start3A_359] : memref<4480xf32, #tpu.memory_space<vmem>> -> memref<160xf32, #tpu.memory_space<vmem>>
          tpu.enqueue_dma source(%dma_start3A_360 : memref<160xf32, #tpu.memory_space<vmem>>) target(%dma_start3A_358 : memref<160xf32, #tpu.memory_space<hbm>>) target_semaphore(%run_scoped3A : memref<!tpu.dma_semaphore, #tpu.memory_space<semaphore_mem>>)
          %dma_wait3A = arith.constant 4160 : i32
          %dma_wait3A_361 = tpu.memref_slice %arg7[%dma_wait3A] : memref<4480xf32, #tpu.memory_space<vmem>> -> memref<160xf32, #tpu.memory_space<vmem>>
          %dma_wait3A_362 = tpu.memref_slice %arg5[%select_n3A_349] : memref<100000xf32, #tpu.memory_space<hbm>> -> memref<160xf32, #tpu.memory_space<hbm>>
          %dma_wait3A_363 = tpu.memref_slice %arg5[%select_n3A_349] : memref<100000xf32, #tpu.memory_space<hbm>> -> memref<160xf32, #tpu.memory_space<hbm>>
          %dma_wait3A_364 = arith.constant 4160 : i32
          %dma_wait3A_365 = tpu.memref_slice %arg7[%dma_wait3A_364] : memref<4480xf32, #tpu.memory_space<vmem>> -> memref<160xf32, #tpu.memory_space<vmem>>
          tpu.wait_dma2 semaphore(%run_scoped3A : memref<!tpu.dma_semaphore, #tpu.memory_space<semaphore_mem>>) src(%dma_wait3A_365 : memref<160xf32, #tpu.memory_space<vmem>>) dst(%dma_wait3A_363 : memref<160xf32, #tpu.memory_space<hbm>>)
          tpu.yield
        }) : () -> ()
      } else {
      }
    } else {
    }
    return
  }
}

module attributes {stable_mosaic.version = 14 : i64} {
  func.func @_enqueue_kernel(%arg0: i32, %arg1: memref<1xi32, #tpu.memory_space<smem>>, %arg2: memref<4096x128xf32, #tpu.memory_space<vmem>>, %arg3: memref<10000x128xf32, #tpu.memory_space<vmem>>, %arg4: memref<10000x128xf32, #tpu.memory_space<vmem>>, %arg5: memref<24096x128xf32, #tpu.memory_space<vmem>>) attributes {dimension_semantics = [#tpu.dimension_semantics<arbitrary>], iteration_bounds = array<i64: 10>, scalar_prefetch = 1 : i64, scratch_operands = 1 : i64, tpu.core_type = #tpu.core_type<tc>, window_params = [{pipeline_mode = #tpu.pipeline_mode<synchronous>, transform_indices = @transform_0, window_bounds = array<i64: 4096, 128>}, {transform_indices = @transform_1, window_bounds = array<i64: 10000, 128>}, {transform_indices = @transform_2, window_bounds = array<i64: 10000, 128>}]} {
    %mul3A = arith.constant 10000 : i32
    %mul3A_0 = arith.muli %arg0, %mul3A : i32
    %get3A = arith.constant 0 : index
    %get3A_1 = memref.load %arg1[%get3A] : memref<1xi32, #tpu.memory_space<smem>>
    %eq3A = arith.constant 0 : i32
    %eq3A_2 = arith.cmpi eq, %arg0, %eq3A : i32
    %convert_element_type3A = arith.extui %eq3A_2 : i1 to i32
    %cond3A = arith.constant 0 : i32
    %cond3A_3 = arith.cmpi ne, %convert_element_type3A, %cond3A : i32
    scf.if %cond3A_3 {
      %get3A_16 = arith.constant 0 : index
      %get3A_17 = arith.constant 0 : index
      %get3A_18 = vector.load %arg2[%get3A_16, %get3A_17] : memref<4096x128xf32, #tpu.memory_space<vmem>>, vector<4096x128xf32>
      %swap3A = arith.constant 10000 : index
      %swap3A_19 = arith.constant 0 : index
      %swap3A_20 = vector.load %arg5[%swap3A, %swap3A_19] : memref<24096x128xf32, #tpu.memory_space<vmem>>, vector<4096x128xf32>
      tpu.vector_store %arg5[%swap3A, %swap3A_19], %get3A_18 {strides = array<i32>} : memref<24096x128xf32, #tpu.memory_space<vmem>>, vector<4096x128xf32>,
    } else {
    }
    %sub3A = arith.subi %mul3A_0, %get3A_1 : i32
    %lt3A = arith.constant 0 : i32
    %lt3A_4 = arith.cmpi slt, %sub3A, %lt3A : i32
    %add3A = arith.constant 100000 : i32
    %add3A_5 = arith.addi %sub3A, %add3A : i32
    %select_n3A = arith.select %lt3A_4, %add3A_5, %sub3A : i32
    %lt3A_6 = arith.constant 4096 : i32
    %lt3A_7 = arith.cmpi slt, %select_n3A, %lt3A_6 : i32
    %ge3A = arith.constant 90000 : i32
    %ge3A_8 = arith.cmpi sge, %select_n3A, %ge3A : i32
    %or3A = arith.ori %lt3A_7, %ge3A_8 : i1
    %convert_element_type3A_9 = arith.extui %or3A : i1 to i32
    %cond3A_10 = arith.constant 0 : i32
    %cond3A_11 = arith.cmpi ne, %convert_element_type3A_9, %cond3A_10 : i32
    scf.if %cond3A_11 {
      %iota3A = tpu.iota {dimensions = array<i32: 0>} : vector<10000x1xi32>
      %add3A_16 = vector.broadcast %mul3A_0 : i32 to vector<10000x1xi32>
      %add3A_17 = arith.addi %iota3A, %add3A_16 : vector<10000x1xi32>
      %sub3A_18 = vector.broadcast %get3A_1 : i32 to vector<10000x1xi32>
      %sub3A_19 = arith.subi %add3A_17, %sub3A_18 : vector<10000x1xi32>
      %lt3A_20 = arith.constant 0 : i32
      %lt3A_21 = vector.broadcast %lt3A_20 : i32 to vector<10000x1xi32>
      %lt3A_22 = arith.cmpi slt, %sub3A_19, %lt3A_21 : vector<10000x1xi32>
      %add3A_23 = arith.constant 100000 : i32
      %add3A_24 = vector.broadcast %add3A_23 : i32 to vector<10000x1xi32>
      %add3A_25 = arith.addi %sub3A_19, %add3A_24 : vector<10000x1xi32>
      %select_n3A_26 = arith.select %lt3A_22, %add3A_25, %sub3A_19 : vector<10000x1xi1>, vector<10000x1xi32>
      %lt3A_27 = arith.constant 4096 : i32
      %lt3A_28 = vector.broadcast %lt3A_27 : i32 to vector<10000x1xi32>
      %lt3A_29 = arith.cmpi slt, %select_n3A_26, %lt3A_28 : vector<10000x1xi32>
      %ge3A_30 = arith.constant 90000 : i32
      %ge3A_31 = arith.cmpi sge, %select_n3A, %ge3A_30 : i32
      %sub3A_32 = arith.constant 100000 : i32
      %sub3A_33 = arith.subi %select_n3A, %sub3A_32 : i32
      %select_n3A_34 = arith.select %ge3A_31, %sub3A_33, %select_n3A : i32
      %add3A_35 = arith.constant 10000 : i32
      %add3A_36 = arith.addi %select_n3A_34, %add3A_35 : i32
      %jit3A = arith.constant 0 : i32
      %jit3A_37 = arith.constant 14096 : i32
      %max3A = arith.maxsi %jit3A, %add3A_36 : i32
      %min3A = arith.minsi %jit3A_37, %max3A : i32
      %get3A_38 = arith.index_cast %min3A : i32 to index
      %get3A_39 = arith.constant 0 : index
      %get3A_40 = vector.load %arg5[%get3A_38, %get3A_39] : memref<24096x128xf32, #tpu.memory_space<vmem>>, vector<10000x128xf32>
      %get3A_41 = arith.constant 0 : index
      %get3A_42 = arith.constant 0 : index
      %get3A_43 = vector.load %arg3[%get3A_41, %get3A_42] : memref<10000x128xf32, #tpu.memory_space<vmem>>, vector<10000x128xf32>
      %broadcast_in_dim3A = vector.shape_cast %lt3A_29 : vector<10000x1xi1> to vector<10000x1xi1>
      %broadcast_in_dim3A_44 = vector.broadcast %broadcast_in_dim3A : vector<10000x1xi1> to vector<10000x128xi1>
      %select_n3A_45 = arith.select %broadcast_in_dim3A_44, %get3A_40, %get3A_43 : vector<10000x128xi1>, vector<10000x128xf32>
      %swap3A = arith.constant 0 : index
      %swap3A_46 = arith.constant 0 : index
      %swap3A_47 = vector.load %arg4[%swap3A, %swap3A_46] : memref<10000x128xf32, #tpu.memory_space<vmem>>, vector<10000x128xf32>
      tpu.vector_store %arg4[%swap3A, %swap3A_46], %select_n3A_45 {strides = array<i32>} : memref<10000x128xf32, #tpu.memory_space<vmem>>, vector<10000x128xf32>,
    } else {
    }
    %not3A = arith.constant true
    %not3A_12 = arith.xori %or3A, %not3A : i1
    %convert_element_type3A_13 = arith.extui %not3A_12 : i1 to i32
    %cond3A_14 = arith.constant 0 : i32
    %cond3A_15 = arith.cmpi ne, %convert_element_type3A_13, %cond3A_14 : i32
    scf.if %cond3A_15 {
      %get3A_16 = arith.constant 0 : index
      %get3A_17 = arith.constant 0 : index
      %get3A_18 = vector.load %arg3[%get3A_16, %get3A_17] : memref<10000x128xf32, #tpu.memory_space<vmem>>, vector<10000x128xf32>
      %swap3A = arith.constant 0 : index
      %swap3A_19 = arith.constant 0 : index
      %swap3A_20 = vector.load %arg4[%swap3A, %swap3A_19] : memref<10000x128xf32, #tpu.memory_space<vmem>>, vector<10000x128xf32>
      tpu.vector_store %arg4[%swap3A, %swap3A_19], %get3A_18 {strides = array<i32>} : memref<10000x128xf32, #tpu.memory_space<vmem>>, vector<10000x128xf32>,
    } else {
    }
    return
  }
  func.func @transform_0(%arg0: i32, %arg1: memref<1xi32, #tpu.memory_space<smem>>) -> (i32, i32) {
    %c0_i32 = arith.constant 0 : i32
    %c0_i32_0 = arith.constant 0 : i32
    %c0_i32_1 = arith.constant 0 : i32
    return %c0_i32, %c0_i32_0 : i32, i32
  }
  func.func @transform_1(%arg0: i32, %arg1: memref<1xi32, #tpu.memory_space<smem>>) -> (i32, i32) {
    %c0_i32 = arith.constant 0 : i32
    %c0_i32_0 = arith.constant 0 : i32
    return %arg0, %c0_i32 : i32, i32
  }
  func.func @transform_2(%arg0: i32, %arg1: memref<1xi32, #tpu.memory_space<smem>>) -> (i32, i32) {
    %c0_i32 = arith.constant 0 : i32
    %c0_i32_0 = arith.constant 0 : i32
    return %arg0, %c0_i32 : i32, i32
  }
}

</mosaic_0001>

<sc_bundles>
// kernel: kernel.4.cloned.1.call-start
scs
__scs_entry_jumppad:
0x0: {  	(pc) =	sbr.rel $0x88, $3  }
0x1: {  	(tag) =	ssettag $0x0;
	lr =	simm.s32 $0x1  }
0x2: {  	[smem:$0x3F9C] =	sst lr;
	_ =	strace $0xD0000000  }
0x3: {  	_ = 	snop  }
0x4: {  	_ = 	snop  }
0x5: {  	_ = 	snop  }
0x6: {  	_ = 	snop  }
0x7: {  	_ = 	snop  }
__scs_overlays_trampoline_lowered:
0x8: {  	[smem:$0x3FAB] =	sst s0  }
0x9: {  	[smem:$0x3FAC] =	sst s1  }
0xa: {  	[smem:$0x3FAD] =	sst s2  }
0xb: {  	[smem:$0x3FAE] =	sst s3  }
0xc: {  	[smem:$0x3FAF] =	sst s4  }
0xd: {  	[smem:$0x3FB0] =	sst s5  }
0xe: {  	[smem:$0x3FB1] =	sst s6  }
0xf: {  	[smem:$0x3FB2] =	sst s7  }
0x10: {  	[smem:$0x3FB3] =	sst s8  }
0x11: {  	[smem:$0x3FB4] =	sst s9;
	s0 =	simm.s32 @!p0 $0x0  }
0x12: {  	s1 =	sld [smem:$0x3F9A];
	s0 =	simm.s32 @p0 $0x1  }
0x13: {  	[smem:$0x3FB5] =	sst s0;
	s0 =	simm.s32 @!p1 $0x0  }
0x14: {  	s2 =	sld [smem:$0x3F99];
	s0 =	simm.s32 @p1 $0x1  }
0x15: {  	[smem:$0x3FB6] =	sst s0;
	s0 =	simm.s32 @!p2 $0x0  }
0x16: {  	s3 =	sld [smem:$0x3FDB];
	s0 =	simm.s32 @p2 $0x1  }
0x17: {  	s4 =	simm.s32 $0x1BF5;
	[smem:$0x3FB8] =	sst s0  }
0x18: {  	s0 =	sld [smem:$0x3F9B];
	_ =	swait.ge [sflag:s4], $0x0  }
0x19: {  	s7 =	sld [smem:$0x3F9C]  }
0x1a: {  	s8 =	sadd.s32 $0xFFFFE003, lr  }
0x1b: {  	s9 =	sadd.s32 $0xFFFFFEF7, lr;
	s5 =	simm.s32 $0xFFFFFFFF;
	p2 =	slt.u32 s8, $0xFFFFF086  }
0x1c: {  	p1 =	slt.u32 s9, $0xF7A;
	s5 =	simm.s32 @!p2 $0x0  }
0x1d: {  	s5 =	simm.s32 @p1 $0x1;
	p0 =	seq.s32 s7, s2  }
0x1e: {  	s7 =	smul.u32 @!p0 $0xF7A, s2;
	p2 =	seq.s32 @!p0 s5, $0x0  }
0x1f: {  	s9 =	smul.u32 $0xF7A, s1;
	s8 =	simm.s32 @!p0 $0x1BF5;
	p2 =	por !p2, p0  }
0x20: {  	[sflag:s8] =	ssyncset.s32 @!p0 $0xFFFFF086;
	s6 =	sadd.s32 @!p0 s3, s7;
	s7 =	simm.s32 @!p0 $0x108  }
0x21: {  	s3 =	sadd.s32 s3, s9;
	s6 =	sadd.s32 @!p0 $0x88, s6;
	s7 =	simm.s32 @p2 $0x1082  }
0x22: {  	[simem:s7], [sflag:s8] =	dma.local @!p0 [hbm:s6], $0xF7A  }
0x23: {  	s9 =	sor.u32 $0xD0000000, s2;
	s6 =	simm.s32 $0x108;
	_ =	swait.ge @!p0 [sflag:s8], $0x0  }
0x24: {  	s3 =	sadd.s32 $0x88, s3;
	s6 =	simm.s32 @!p1 $0x1082;
	[sflag:s4] =	ssyncset.s32 $0xFFFFF086  }
0x25: {  	[simem:s6], [sflag:s4] =	dma.local [hbm:s3], $0xF7A  }
0x26: {  	[smem:$0x3F9C] =	sst s1;
	(tag) =	ssettag s2;
	_ =	strace s9  }
0x27: {  	s1 =	sld [smem:$0x3FAC]  }
0x28: {  	s2 =	sld [smem:$0x3FAD]  }
0x29: {  	s4 =	sld [smem:$0x3FAF]  }
0x2a: {  	p0 =	seq.s32 s5, $0x0;
	s5 =	sld [smem:$0x3FB0]  }
0x2b: {  	s6 =	sld [smem:$0x3FB1]  }
0x2c: {  	s7 =	sld [smem:$0x3FB2]  }
0x2d: {  	s3 =	simm.s32 $0x108;
	s8 =	sld [smem:$0x3FB3]  }
0x2e: {  	s3 =	simm.s32 @!p0 $0x1082;
	s9 =	sld [smem:$0x3FB4]  }
0x2f: {  	lr =	sadd.s32 s0, s3;
	s0 =	sld [smem:$0x3FAB]  }
0x30: {  	s3 =	sld [smem:$0x3FAE]  }
0x31: {  	[smem:$0x3FB7] =	sst s10  }
0x32: {  	s10 =	sld [smem:$0x3FB5];
	_ =	sdelay $0x3  }
0x33: {  	p0 =	seq.s32 s10, $0x1;
	s10 =	sld [smem:$0x3FB7];
	_ =	sdelay $0x3  }
0x34: {  	[smem:$0x3FB7] =	sst s10  }
0x35: {  	s10 =	sld [smem:$0x3FB6];
	_ =	sdelay $0x3  }
0x36: {  	p1 =	seq.s32 s10, $0x1;
	s10 =	sld [smem:$0x3FB7];
	_ =	sdelay $0x3  }
0x37: {  	[smem:$0x3FB7] =	sst s10  }
0x38: {  	s10 =	sld [smem:$0x3FB8]  }
0x39: {  	_ = 	snop;
	(pc) =	sbr.ind lr, $3  }
0x3a: {  	_ = 	snop  }
0x3b: {  	_ = 	snop  }
0x3c: {  	p2 =	seq.s32 s10, $0x1;
	s10 =	sld [smem:$0x3FB7]  }
0x3d: {  	_ =	shalt  }
0x3e: {  	_ =	shalt  }
0x3f: {  	_ =	shalt  }
0x40: {  	_ =	shalt  }
0x41: {  	_ =	shalt  }
0x42: {  	_ =	shalt  }
0x43: {  	_ =	shalt  }
0x44: {  	_ =	shalt  }
0x45: {  	_ =	shalt  }
0x46: {  	_ =	shalt  }
0x47: {  	_ =	shalt  }
0x48: {  	_ =	shalt  }
0x49: {  	_ =	shalt  }
0x4a: {  	_ =	shalt  }
0x4b: {  	_ =	shalt  }
0x4c: {  	_ =	shalt  }
0x4d: {  	_ =	shalt  }
0x4e: {  	_ =	shalt  }
0x4f: {  	_ =	shalt  }
0x50: {  	_ =	shalt  }
0x51: {  	_ =	shalt  }
0x52: {  	_ =	shalt  }
0x53: {  	_ =	shalt  }
0x54: {  	_ =	shalt  }
0x55: {  	_ =	shalt  }
0x56: {  	_ =	shalt  }
0x57: {  	_ =	shalt  }
0x58: {  	_ =	shalt  }
0x59: {  	_ =	shalt  }
0x5a: {  	_ =	shalt  }
0x5b: {  	_ =	shalt  }
0x5c: {  	_ =	shalt  }
0x5d: {  	_ =	shalt  }
0x5e: {  	_ =	shalt  }
0x5f: {  	_ =	shalt  }
0x60: {  	_ =	shalt  }
0x61: {  	_ =	shalt  }
0x62: {  	_ =	shalt  }
0x63: {  	_ =	shalt  }
0x64: {  	_ =	shalt  }
0x65: {  	_ =	shalt  }
0x66: {  	_ =	shalt  }
0x67: {  	_ =	shalt  }
0x68: {  	_ =	shalt  }
0x69: {  	_ =	shalt  }
0x6a: {  	_ =	shalt  }
0x6b: {  	_ =	shalt  }
0x6c: {  	_ =	shalt  }
0x6d: {  	_ =	shalt  }
0x6e: {  	_ =	shalt  }
0x6f: {  	_ =	shalt  }
0x70: {  	_ =	shalt  }
0x71: {  	_ =	shalt  }
0x72: {  	_ =	shalt  }
0x73: {  	_ =	shalt  }
0x74: {  	_ =	shalt  }
0x75: {  	_ =	shalt  }
0x76: {  	_ =	shalt  }
0x77: {  	_ =	shalt  }
0x78: {  	_ =	shalt  }
0x79: {  	_ =	shalt  }
0x7a: {  	_ =	shalt  }
0x7b: {  	_ =	shalt  }
0x7c: {  	_ =	shalt  }
0x7d: {  	_ =	shalt  }
0x7e: {  	_ =	shalt  }
0x7f: {  	_ =	shalt  }
0x80: {  	_ =	shalt  }
0x81: {  	_ =	shalt  }
0x82: {  	_ =	shalt  }
0x83: {  	_ =	shalt  }
0x84: {  	_ =	shalt  }
0x85: {  	_ =	shalt  }
0x86: {  	_ =	shalt  }
0x87: {  	_ =	shalt  }
.Lfunc_end0:
.L_simem_size_0:
called_computation_lowered:
.L_overlay_start_0:
0x88: {  	s2 =	sld [smem:$0x3FD9]  }
0x89: {  	s3 =	sld [smem:$0x3FFE];
	_ =	sdelay $0x1  }
0x8a: {  	s1 =	srdreg.scid  }
0x8b: {  	s0 =	sand.u32 $0x1, s1  }
0x8c: {  	s14 =	sshll.u32 s0, $0xA;
	s2 =	sadd.s32 s3, s2  }
0x8d: {  	s2 =	sadd.s32 s2, s14  }
0x8e: {  	[smem:$0x3FC3] =	sst s2  }
0x8f: {  	_ = 	snop  }
0x90: {  	s2 =	sld [smem:$0x3FD0];
	_ =	sdelay $0x2  }
0x91: {  	s15 =	simm.s32 $0xA;
	s4 =	simm.s32 $0x10  }
0x92: {  	[smem:s4], [sflag:s15] =	dma.local [hbm:s2], $0x1  }
0x93: {  	_ =	swait.eq [sflag:s15], $0x1  }
0x94: {  	[sflag:s15] =	ssyncset.done $0x0  }
0x95: {  	[sflag:s15] =	ssyncadd.s32 $0xFFFFFFFF  }
0x96: {  	s16 =	sld [smem:$0x11];
	(tm) =	ssettm $0x1  }
0x97: {  	s17 =	sld [smem:$0x3FFB];
	_ =	sdelay $0x3  }
0x98: {  	_ =	strace s17  }
0x99: {  	s3 =	sld [smem:$0x3FFC];
	_ =	sdelay $0x3  }
0x9a: {  	_ =	strace s3  }
0x9b: {  	s3 =	sld [smem:$0x3FFD];
	_ =	sdelay $0x3  }
0x9c: {  	_ =	strace s3  }
0x9d: {  	_ =	strace $0x8FFFFFFF  }
0x9e: {  	s18 =	sld [smem:$0x3FDB];
	_ =	sdelay $0x1  }
0x9f: {  	s19 =	simm.s32 $_scs_section_size  }
0xa0: {  	s5 =	simm.s32 $_size__tile_overlayer_lowered;
	s6 =	simm.s32 $_tile_overlayer_lowered  }
0xa1: {  	s22 =	simm.s32 $0x1BFF;
	s21 =	sshll.u32 s6, $0x1;
	s3 =	sadd.s32 s19, s18  }
0xa2: {  	s7 =	simm.s32 $0x0;
	s20 =	sshll.u32 s5, $0x1;
	s5 =	sadd.s32 s21, s3  }
0xa3: {  	[timem:s7], [sflag:s22] =	dma.local [hbm:s5], s20  }
0xa4: {  	_ =	swait.ge [sflag:s22], s20  }
0xa5: {  	s4 =	ssub.s32 $0x0, s20;
	[sflag:s22] =	ssyncset.done $0x0  }
0xa6: {  	[sflag:s22] =	ssyncadd.s32 s4;
	_ =	sdelay $0x1  }
0xa7: {  	s23 =	simm.s32 $0x1B8B  }
0xa8: {  	_ =	swait.ge [sflag:s23], $0x1  }
0xa9: {  	[sflag:s23] =	ssyncset.done $0x0  }
0xaa: {  	s25 =	simm.s32 $0x1B8E;
	s24 =	sld [smem:$0x3FFE];
	[sflag:s23] =	ssyncadd.s32 $0xFFFFFFFF  }
0xab: {  	s26 =	simm.s32 $execute0_lowered;
	[smem:$0x3FD2] =	sst s25  }
0xac: {  	s5 =	sshll.u32 s26, $0x1;
	_ =	strace $0x80000046;
	[dreg:$0x1] =	wrdreg $0xFFFFFFFF  }
0xad: {  	s28 =	simm.s32 $_size_execute0_lowered;
	s3 =	sadd.s32 s3, s5;
	[dreg:$0x0] =	wrdreg $0x0  }
0xae: {  	s5 =	sshll.u32 s28, $0x1;
	[dreg:$0x2] =	wrdreg s3  }
0xaf: {  	[dreg:$0x3] =	wrdreg s5  }
0xb0: {  	[dreg:$0x4] =	wrdreg $0xC0  }
0xb1: {  	_ =	task [dreg:s7], $0x5FFFF  }
0xb2: {  	[dreg:$0x1] =	wrdreg $0xFFFFFFFF  }
0xb3: {  	[dreg:$0x0] =	wrdreg $0x60  }
0xb4: {  	[dreg:$0x2] =	wrdreg s24  }
0xb5: {  	[dreg:$0x3] =	wrdreg s16  }
0xb6: {  	[dreg:$0x4] =	wrdreg $0x9  }
0xb7: {  	_ =	task.clear_ibuf [dreg:s7], $0x5FFFF;
	_ =	strace $0x90000046  }
0xb8: {  	s29 =	simm.s32 $0x9;
	_ =	strace $0x80000048  }
0xb9: {  	_ =	swait.ge [sflag:s29], $0x1  }
0xba: {  	[sflag:s29] =	ssyncadd.s32 $0xFFFFFFFF  }
0xbb: {  	_ =	strace $0x90000048  }
0xbc: {  	_ =	sfence  }
0xbd: {  	s30 =	sld [smem:$0x0];
	_ =	sdelay $0x2  }
0xbe: {  	s31 =	sshll.u32 s1, $0xD;
	s1 =	sshrl.u32 s1, $0x2  }
0xbf: {  	s3 =	sand.u32 $0x4000, s31;
	s1 =	sadd.s32 s1, s30  }
0xc0: {  	s0 =	sor.u32 s3, s0;
	s1 =	sshll.u32 s1, $0x11  }
0xc1: {  	s0 =	sor.u32 s1, s0  }
0xc2: {  	s0 =	sadd.s32 $0x8F2B, s0  }
0xc3: {  	[sflag:s0] =	ssyncadd.remote.s32 $0x1  }
0xc4: {  	_ =	sfence.sel $0xFFFF  }
0xc5: {  	[dreg:$0x0] =	wrdreg $0xFFFFFFFF;
	(pc) =	sbr.abs _section_cstart, $3  }
0xc6: {  	[dreg:$0x1] =	wrdreg $0xFFFFFFFF  }
0xc7: {  	_ =	task.clear_ibuf [dreg:s7], $0x2FFFF;
	_ =	strace $0x9FFFFFFF  }
0xc8: {  	(tm) =	ssettm $0x7FFFFFFF  }
0xc9: {  	_ =	shalt  }
tec
execute0_lowered:
.L_overlay_start_1:
0x0: {  	(tag) =	ssettag $0x1  }
0x1: {  	s2 =	srdreg.scid;
	s0 =	stileid.u32  }
0x2: {  	s7 =	sand.u32 $0x1, s2;
	s3 =	sshll.u32 s0, $0x1  }
0x3: {  	s3 =	sor.u32 s7, s3  }
0x4: {  	p0 =	sgt.u32 s3, $0x18  }
.Ltmp0:
0x5: {  	s5 =	rddreg [dreg:$0x0];
	(pc) =	sbr.rel @p0 .LBB2_3-.Ltmp0, $4  }
0x6: {  	s1 =	rddreg [dreg:$0x1]  }
0x7: {  	[dreg:$0x5] =	wrdreg s1;
	s2 =	simm.s32 $0x0  }
0x8: {  	[smem:$0x7FF] =	sst s2  }
0x9: {  	s1 =	rddreg [dreg:$0x2];
	_ =	strace $0x80000047  }
0xa: {  	s3 =	smul.u32 $0xFA0, s3;
	s6 =	sadd.s32 $0x3800, s5;
	s4 =	sadd.s32 $0x3A00, s5  }
0xb: {  	s9 =	sadd.s32 $0x600, s5;
	s7 =	ssub.s32 $0x2, s7;
	s30 =	simm.s32 $0x1000  }
0xc: {  	s31 =	simm.s32 $0x2180;
	[dreg:$0x7] =	wrdreg s6;
	s6 =	sadd.s32 $0x3FEA, s0  }
0xd: {  	s29 =	sshrl.u32 s7, $0x1;
	[dreg:$0x4] =	wrdreg s30;
	s8 =	sshrl.u32 s3, $0x3  }
0xe: {  	[dreg:$0x6] =	wrdreg s31;
	s5 =	sadd.s32 $0xFA0, s3;
	s28 =	sadd.s32 s4, s8  }
0xf: {  	s7 =	ssub.s32 s7, s29;
	s8 =	sadd.s32 s9, s8;
	[dreg:$0x8] =	wrdreg s28  }
0x10: {  	s7 =	smax.u32 s7, $0x1;
	[dreg:$0x3] =	wrdreg s8;
	s8 =	simm.s32 $0x1  }
.LBB2_2:
0x11: {  	s9 =	rddreg [dreg:$0x3]  }
0x12: {  	[tilespmem:s2], [sflag:$0x1] =	stream.linear.gather [hbm4b:s9+s2], $0xFA0, $0x38;
	[tilespmem:$0x2200] =	vst v63  }
0x13: {  	_ =	swait.ge [sflag:s8], $0xFA0  }
0x14: {  	s26 =	rddreg [dreg:$0x4];
	[sflag:s8] =	ssyncset.done $0x0  }
0x15: {  	s10 =	rddreg [dreg:$0x5];
	[sflag:s8] =	ssyncadd.s32 $0xFFFFF060  }
0x16: {  	[tilespmem:s26], [sflag:$0x1] =	stream.linear.gather [hbm4b:s10+s2], $0x1180, $0x38;
	[tilespmem:$0x2200] =	vst v63  }
0x17: {  	_ =	swait.ge [sflag:s8], $0x1180  }
0x18: {  	s28 =	rddreg [dreg:$0x6];
	[sflag:s8] =	ssyncset.done $0x0  }
0x19: {  	s29 =	rddreg [dreg:$0x7];
	[sflag:s8] =	ssyncadd.s32 $0xFFFFEE80  }
0x1a: {  	[tilespmem:s28], [sflag:$0x1] =	stream.linear.gather [hbm4b:s29+s2], $0x80, $0x38;
	[tilespmem:$0x2200] =	vst v63  }
0x1b: {  	_ =	swait.ge [sflag:s8], $0x80  }
0x1c: {  	[sflag:s8] =	ssyncset.done $0x0  }
0x1d: {  	s30 =	rddreg [dreg:$0x8];
	[sflag:s8] =	ssyncadd.s32 $0xFFFFFF80  }
0x1e: {  	[hbm4b:s30+s2] =	stream.linear.scatter [tilespmem:s2], [sflag:$0x1], $0xFA0, $0x38;
	[tilespmem:$0x2200] =	vst v63  }
0x1f: {  	_ =	swait.ge [sflag:s8], $0xFA0  }
0x20: {  	[sflag:s8] =	ssyncset.done $0x0  }
0x21: {  	[sflag:s8] =	ssyncadd.s32 $0xFFFFF060  }
0x22: {  	v0 =	vld [tilespmem:$0x2180];
	_ =	sdelay $0x4  }
0x23: {  	(v2sf) =	vpush v0, $0x0;
	_ =	sdelay $0xe  }
0x24: {  	s31 =	spop (v2sf)  }
0x25: {  	p0 =	sgt.s32 s31, $0x1869F;
	s10 =	sadd.s32 $0xFFFE7960, s31;
	s11 =	smov.u32 s31  }
0x26: {  	s11 =	smov.u32 @p0 s10  }
0x27: {  	p0 =	slt.s32 s11, s3  }
0x28: {  	p2 =	sge.s32 @!p0 s11, s5  }
0x29: {  	p1 =	por p2, p0  }
0x2a: {  	s10 =	sand.u32 @!p1 $0x7, s11  }
0x2b: {  	p3 =	seq.s32 @!p1 s10, $0x0;
	s10 =	sld @!p1 [smem:$0x7FF]  }
0x2c: {  	p4 =	por @!p0 p3, p2  }
0x2d: {  	p4 =	por p4, p0  }
0x2e: {  	p4 =	sne.s32 @!p4 s10, $0x1  }
0x2f: {  	p3 =	por @!p1 !p4, p3  }
0x30: {  	p2 =	por @!p0 p3, p2  }
0x31: {  	p0 =	por p2, p0  }
0x32: {  	s10 =	sor.u32 @!p0 $0x100000, s6  }
0x33: {  	[smem:s10], [sflag:$0x0] =	smem.add.s32 @!p0 $0x56;
	s10 =	simm.s32 @!p0 $0x0  }
0x34: {  	s12 =	simm.s32 @!p0 $0x1;
	_ =	swait.done @!p0 [sflag:s10]  }
0x35: {  	[smem:$0x7FF] =	sst @!p0 s12  }
0x36: {  	_ =	sint @!p0 $0x2  }
0x37: {  	_ =	swait.notdone @!p0 [sflag:s10];
	s10 =	sshrl.u32 @!p1 s11, $0x3  }
0x38: {  	s12 =	simm.s32 @!p1 $0x1000;
	s11 =	simm.s32 @!p1 $0x0;
	s10 =	sadd.s32 @!p1 s4, s10  }
0x39: {  	[hbm4b:s10+s11] =	stream.linear.scatter @!p1 [tilespmem:s12], [sflag:$0x1], $0xA0, $0x38;
	[tilespmem:$0x2200] =	vst v63  }
0x3a: {  	s10 =	sadd.s32 $0xA0, s31  }
0x3b: {  	s11 =	sadd.s32 $0xFFFE7A00, s31;
	p0 =	sgt.s32 s10, $0x1869F  }
0x3c: {  	s10 =	smov.u32 @p0 s11  }
0x3d: {  	p2 =	slt.s32 s10, s3  }
0x3e: {  	p3 =	sge.s32 @!p2 s10, s5  }
0x3f: {  	s11 =	simm.s32 @!p1 $0x1;
	p0 =	por p3, p2  }
0x40: {  	_ =	swait.ge @!p1 [sflag:s11], $0xA0;
	s12 =	sand.u32 @!p0 $0x7, s10  }
0x41: {  	p4 =	seq.s32 @!p0 s12, $0x0;
	s12 =	sld @!p0 [smem:$0x7FF]  }
0x42: {  	p5 =	por @!p2 p4, p3  }
0x43: {  	p5 =	por p5, p2  }
0x44: {  	p5 =	sne.s32 @!p5 s12, $0x1  }
0x45: {  	p4 =	por @!p0 !p5, p4  }
0x46: {  	p3 =	por @!p2 p4, p3  }
0x47: {  	[sflag:s11] =	ssyncset.done @!p1 $0x0;
	p2 =	por p3, p2  }
0x48: {  	[sflag:s11] =	ssyncadd.s32 @!p1 $0xFFFFFF60;
	s11 =	sor.u32 @!p2 $0x100000, s6  }
0x49: {  	[smem:s11], [sflag:$0x0] =	smem.add.s32 @!p2 $0x65;
	s11 =	simm.s32 @!p2 $0x0  }
0x4a: {  	s12 =	simm.s32 @!p2 $0x1;
	_ =	swait.done @!p2 [sflag:s11]  }
0x4b: {  	s10 =	sshrl.u32 @!p0 s10, $0x3;
	[smem:$0x7FF] =	sst @!p2 s12  }
0x4c: {  	s10 =	sadd.s32 @!p0 s4, s10;
	_ =	sint @!p2 $0x2  }
0x4d: {  	s12 =	simm.s32 @!p0 $0x10A0;
	_ =	swait.notdone @!p2 [sflag:s11];
	s11 =	simm.s32 @!p0 $0x0  }
0x4e: {  	[hbm4b:s10+s11] =	stream.linear.scatter @!p0 [tilespmem:s12], [sflag:$0x1], $0xA0, $0x38;
	[tilespmem:$0x2200] =	vst v63  }
0x4f: {  	s10 =	sadd.s32 $0x140, s31  }
0x50: {  	s11 =	sadd.s32 $0xFFFE7AA0, s31;
	p1 =	sgt.s32 s10, $0x1869F  }
0x51: {  	s10 =	smov.u32 @p1 s11  }
0x52: {  	p2 =	slt.s32 s10, s3  }
0x53: {  	p3 =	sge.s32 @!p2 s10, s5  }
0x54: {  	s11 =	simm.s32 @!p0 $0x1;
	p1 =	por p3, p2  }
0x55: {  	_ =	swait.ge @!p0 [sflag:s11], $0xA0;
	s12 =	sand.u32 @!p1 $0x7, s10  }
0x56: {  	p4 =	seq.s32 @!p1 s12, $0x0;
	s12 =	sld @!p1 [smem:$0x7FF]  }
0x57: {  	p5 =	por @!p2 p4, p3  }
0x58: {  	p5 =	por p5, p2  }
0x59: {  	p5 =	sne.s32 @!p5 s12, $0x1  }
0x5a: {  	p4 =	por @!p1 !p5, p4  }
0x5b: {  	p3 =	por @!p2 p4, p3  }
0x5c: {  	[sflag:s11] =	ssyncset.done @!p0 $0x0;
	p2 =	por p3, p2  }
0x5d: {  	[sflag:s11] =	ssyncadd.s32 @!p0 $0xFFFFFF60;
	s11 =	sor.u32 @!p2 $0x100000, s6  }
0x5e: {  	[smem:s11], [sflag:$0x0] =	smem.add.s32 @!p2 $0x74;
	s11 =	simm.s32 @!p2 $0x0  }
0x5f: {  	s12 =	simm.s32 @!p2 $0x1;
	_ =	swait.done @!p2 [sflag:s11]  }
0x60: {  	s10 =	sshrl.u32 @!p1 s10, $0x3;
	[smem:$0x7FF] =	sst @!p2 s12  }
0x61: {  	s10 =	sadd.s32 @!p1 s4, s10;
	_ =	sint @!p2 $0x2  }
0x62: {  	s12 =	simm.s32 @!p1 $0x1140;
	_ =	swait.notdone @!p2 [sflag:s11];
	s11 =	simm.s32 @!p1 $0x0  }
0x63: {  	[hbm4b:s10+s11] =	stream.linear.scatter @!p1 [tilespmem:s12], [sflag:$0x1], $0xA0, $0x38;
	[tilespmem:$0x2200] =	vst v63  }
0x64: {  	s10 =	sadd.s32 $0x1E0, s31  }
0x65: {  	s11 =	sadd.s32 $0xFFFE7B40, s31;
	p0 =	sgt.s32 s10, $0x1869F  }
0x66: {  	s10 =	smov.u32 @p0 s11  }
0x67: {  	p2 =	slt.s32 s10, s3  }
0x68: {  	p3 =	sge.s32 @!p2 s10, s5  }
0x69: {  	s11 =	simm.s32 @!p1 $0x1;
	p0 =	por p3, p2  }
0x6a: {  	_ =	swait.ge @!p1 [sflag:s11], $0xA0;
	s12 =	sand.u32 @!p0 $0x7, s10  }
0x6b: {  	p4 =	seq.s32 @!p0 s12, $0x0;
	s12 =	sld @!p0 [smem:$0x7FF]  }
0x6c: {  	p5 =	por @!p2 p4, p3  }
0x6d: {  	p5 =	por p5, p2  }
0x6e: {  	p5 =	sne.s32 @!p5 s12, $0x1  }
0x6f: {  	p4 =	por @!p0 !p5, p4  }
0x70: {  	p3 =	por @!p2 p4, p3  }
0x71: {  	[sflag:s11] =	ssyncset.done @!p1 $0x0;
	p2 =	por p3, p2  }
0x72: {  	[sflag:s11] =	ssyncadd.s32 @!p1 $0xFFFFFF60;
	s11 =	sor.u32 @!p2 $0x100000, s6  }
0x73: {  	[smem:s11], [sflag:$0x0] =	smem.add.s32 @!p2 $0x83;
	s11 =	simm.s32 @!p2 $0x0  }
0x74: {  	s12 =	simm.s32 @!p2 $0x1;
	_ =	swait.done @!p2 [sflag:s11]  }
0x75: {  	s10 =	sshrl.u32 @!p0 s10, $0x3;
	[smem:$0x7FF] =	sst @!p2 s12  }
0x76: {  	s10 =	sadd.s32 @!p0 s4, s10;
	_ =	sint @!p2 $0x2  }
0x77: {  	s12 =	simm.s32 @!p0 $0x11E0;
	_ =	swait.notdone @!p2 [sflag:s11];
	s11 =	simm.s32 @!p0 $0x0  }
0x78: {  	[hbm4b:s10+s11] =	stream.linear.scatter @!p0 [tilespmem:s12], [sflag:$0x1], $0xA0, $0x38;
	[tilespmem:$0x2200] =	vst v63  }
0x79: {  	s10 =	sadd.s32 $0x280, s31  }
0x7a: {  	s11 =	sadd.s32 $0xFFFE7BE0, s31;
	p1 =	sgt.s32 s10, $0x1869F  }
0x7b: {  	s10 =	smov.u32 @p1 s11  }
0x7c: {  	p2 =	slt.s32 s10, s3  }
0x7d: {  	p3 =	sge.s32 @!p2 s10, s5  }
0x7e: {  	s11 =	simm.s32 @!p0 $0x1;
	p1 =	por p3, p2  }
0x7f: {  	_ =	swait.ge @!p0 [sflag:s11], $0xA0;
	s12 =	sand.u32 @!p1 $0x7, s10  }
0x80: {  	p4 =	seq.s32 @!p1 s12, $0x0;
	s12 =	sld @!p1 [smem:$0x7FF]  }
0x81: {  	p5 =	por @!p2 p4, p3  }
0x82: {  	p5 =	por p5, p2  }
0x83: {  	p5 =	sne.s32 @!p5 s12, $0x1  }
0x84: {  	p4 =	por @!p1 !p5, p4  }
0x85: {  	p3 =	por @!p2 p4, p3  }
0x86: {  	[sflag:s11] =	ssyncset.done @!p0 $0x0;
	p2 =	por p3, p2  }
0x87: {  	[sflag:s11] =	ssyncadd.s32 @!p0 $0xFFFFFF60;
	s11 =	sor.u32 @!p2 $0x100000, s6  }
0x88: {  	[smem:s11], [sflag:$0x0] =	smem.add.s32 @!p2 $0x92;
	s11 =	simm.s32 @!p2 $0x0  }
0x89: {  	s12 =	simm.s32 @!p2 $0x1;
	_ =	swait.done @!p2 [sflag:s11]  }
0x8a: {  	s10 =	sshrl.u32 @!p1 s10, $0x3;
	[smem:$0x7FF] =	sst @!p2 s12  }
0x8b: {  	s10 =	sadd.s32 @!p1 s4, s10;
	_ =	sint @!p2 $0x2  }
0x8c: {  	s12 =	simm.s32 @!p1 $0x1280;
	_ =	swait.notdone @!p2 [sflag:s11];
	s11 =	simm.s32 @!p1 $0x0  }
0x8d: {  	[hbm4b:s10+s11] =	stream.linear.scatter @!p1 [tilespmem:s12], [sflag:$0x1], $0xA0, $0x38;
	[tilespmem:$0x2200] =	vst v63  }
0x8e: {  	s10 =	sadd.s32 $0x320, s31  }
0x8f: {  	s11 =	sadd.s32 $0xFFFE7C80, s31;
	p0 =	sgt.s32 s10, $0x1869F  }
0x90: {  	s10 =	smov.u32 @p0 s11  }
0x91: {  	p2 =	slt.s32 s10, s3  }
0x92: {  	p3 =	sge.s32 @!p2 s10, s5  }
0x93: {  	s11 =	simm.s32 @!p1 $0x1;
	p0 =	por p3, p2  }
0x94: {  	_ =	swait.ge @!p1 [sflag:s11], $0xA0;
	s12 =	sand.u32 @!p0 $0x7, s10  }
0x95: {  	p4 =	seq.s32 @!p0 s12, $0x0;
	s12 =	sld @!p0 [smem:$0x7FF]  }
0x96: {  	p5 =	por @!p2 p4, p3  }
0x97: {  	p5 =	por p5, p2  }
0x98: {  	p5 =	sne.s32 @!p5 s12, $0x1  }
0x99: {  	p4 =	por @!p0 !p5, p4  }
0x9a: {  	p3 =	por @!p2 p4, p3  }
0x9b: {  	[sflag:s11] =	ssyncset.done @!p1 $0x0;
	p2 =	por p3, p2  }
0x9c: {  	[sflag:s11] =	ssyncadd.s32 @!p1 $0xFFFFFF60;
	s11 =	sor.u32 @!p2 $0x100000, s6  }
0x9d: {  	[smem:s11], [sflag:$0x0] =	smem.add.s32 @!p2 $0xA1;
	s11 =	simm.s32 @!p2 $0x0  }
0x9e: {  	s12 =	simm.s32 @!p2 $0x1;
	_ =	swait.done @!p2 [sflag:s11]  }
0x9f: {  	s10 =	sshrl.u32 @!p0 s10, $0x3;
	[smem:$0x7FF] =	sst @!p2 s12  }
0xa0: {  	s10 =	sadd.s32 @!p0 s4, s10;
	_ =	sint @!p2 $0x2  }
0xa1: {  	s12 =	simm.s32 @!p0 $0x1320;
	_ =	swait.notdone @!p2 [sflag:s11];
	s11 =	simm.s32 @!p0 $0x0  }
0xa2: {  	[hbm4b:s10+s11] =	stream.linear.scatter @!p0 [tilespmem:s12], [sflag:$0x1], $0xA0, $0x38;
	[tilespmem:$0x2200] =	vst v63  }
0xa3: {  	s10 =	sadd.s32 $0x3C0, s31  }
0xa4: {  	s11 =	sadd.s32 $0xFFFE7D20, s31;
	p1 =	sgt.s32 s10, $0x1869F  }
0xa5: {  	s10 =	smov.u32 @p1 s11  }
0xa6: {  	p2 =	slt.s32 s10, s3  }
0xa7: {  	p3 =	sge.s32 @!p2 s10, s5  }
0xa8: {  	s11 =	simm.s32 @!p0 $0x1;
	p1 =	por p3, p2  }
0xa9: {  	_ =	swait.ge @!p0 [sflag:s11], $0xA0;
	s12 =	sand.u32 @!p1 $0x7, s10  }
0xaa: {  	p4 =	seq.s32 @!p1 s12, $0x0;
	s12 =	sld @!p1 [smem:$0x7FF]  }
0xab: {  	p5 =	por @!p2 p4, p3  }
0xac: {  	p5 =	por p5, p2  }
0xad: {  	p5 =	sne.s32 @!p5 s12, $0x1  }
0xae: {  	p4 =	por @!p1 !p5, p4  }
0xaf: {  	p3 =	por @!p2 p4, p3  }
0xb0: {  	[sflag:s11] =	ssyncset.done @!p0 $0x0;
	p2 =	por p3, p2  }
0xb1: {  	[sflag:s11] =	ssyncadd.s32 @!p0 $0xFFFFFF60;
	s11 =	sor.u32 @!p2 $0x100000, s6  }
0xb2: {  	[smem:s11], [sflag:$0x0] =	smem.add.s32 @!p2 $0xB0;
	s11 =	simm.s32 @!p2 $0x0  }
0xb3: {  	s12 =	simm.s32 @!p2 $0x1;
	_ =	swait.done @!p2 [sflag:s11]  }
0xb4: {  	s10 =	sshrl.u32 @!p1 s10, $0x3;
	[smem:$0x7FF] =	sst @!p2 s12  }
0xb5: {  	s10 =	sadd.s32 @!p1 s4, s10;
	_ =	sint @!p2 $0x2  }
0xb6: {  	s12 =	simm.s32 @!p1 $0x13C0;
	_ =	swait.notdone @!p2 [sflag:s11];
	s11 =	simm.s32 @!p1 $0x0  }
0xb7: {  	[hbm4b:s10+s11] =	stream.linear.scatter @!p1 [tilespmem:s12], [sflag:$0x1], $0xA0, $0x38;
	[tilespmem:$0x2200] =	vst v63  }
0xb8: {  	s10 =	sadd.s32 $0x460, s31  }
0xb9: {  	s11 =	sadd.s32 $0xFFFE7DC0, s31;
	p0 =	sgt.s32 s10, $0x1869F  }
0xba: {  	s10 =	smov.u32 @p0 s11  }
0xbb: {  	p2 =	slt.s32 s10, s3  }
0xbc: {  	p3 =	sge.s32 @!p2 s10, s5  }
0xbd: {  	s11 =	simm.s32 @!p1 $0x1;
	p0 =	por p3, p2  }
0xbe: {  	_ =	swait.ge @!p1 [sflag:s11], $0xA0;
	s12 =	sand.u32 @!p0 $0x7, s10  }
0xbf: {  	p4 =	seq.s32 @!p0 s12, $0x0;
	s12 =	sld @!p0 [smem:$0x7FF]  }
0xc0: {  	p5 =	por @!p2 p4, p3  }
0xc1: {  	p5 =	por p5, p2  }
0xc2: {  	p5 =	sne.s32 @!p5 s12, $0x1  }
0xc3: {  	p4 =	por @!p0 !p5, p4  }
0xc4: {  	p3 =	por @!p2 p4, p3  }
0xc5: {  	[sflag:s11] =	ssyncset.done @!p1 $0x0;
	p2 =	por p3, p2  }
0xc6: {  	[sflag:s11] =	ssyncadd.s32 @!p1 $0xFFFFFF60;
	s11 =	sor.u32 @!p2 $0x100000, s6  }
0xc7: {  	[smem:s11], [sflag:$0x0] =	smem.add.s32 @!p2 $0xBF;
	s11 =	simm.s32 @!p2 $0x0  }
0xc8: {  	s12 =	simm.s32 @!p2 $0x1;
	_ =	swait.done @!p2 [sflag:s11]  }
0xc9: {  	s10 =	sshrl.u32 @!p0 s10, $0x3;
	[smem:$0x7FF] =	sst @!p2 s12  }
0xca: {  	s10 =	sadd.s32 @!p0 s4, s10;
	_ =	sint @!p2 $0x2  }
0xcb: {  	s12 =	simm.s32 @!p0 $0x1460;
	_ =	swait.notdone @!p2 [sflag:s11];
	s11 =	simm.s32 @!p0 $0x0  }
0xcc: {  	[hbm4b:s10+s11] =	stream.linear.scatter @!p0 [tilespmem:s12], [sflag:$0x1], $0xA0, $0x38;
	[tilespmem:$0x2200] =	vst v63  }
0xcd: {  	s10 =	sadd.s32 $0x500, s31  }
0xce: {  	s11 =	sadd.s32 $0xFFFE7E60, s31;
	p1 =	sgt.s32 s10, $0x1869F  }
0xcf: {  	s10 =	smov.u32 @p1 s11  }
0xd0: {  	p2 =	slt.s32 s10, s3  }
0xd1: {  	p3 =	sge.s32 @!p2 s10, s5  }
0xd2: {  	s11 =	simm.s32 @!p0 $0x1;
	p1 =	por p3, p2  }
0xd3: {  	_ =	swait.ge @!p0 [sflag:s11], $0xA0;
	s12 =	sand.u32 @!p1 $0x7, s10  }
0xd4: {  	p4 =	seq.s32 @!p1 s12, $0x0;
	s12 =	sld @!p1 [smem:$0x7FF]  }
0xd5: {  	p5 =	por @!p2 p4, p3  }
0xd6: {  	p5 =	por p5, p2  }
0xd7: {  	p5 =	sne.s32 @!p5 s12, $0x1  }
0xd8: {  	p4 =	por @!p1 !p5, p4  }
0xd9: {  	p3 =	por @!p2 p4, p3  }
0xda: {  	[sflag:s11] =	ssyncset.done @!p0 $0x0;
	p2 =	por p3, p2  }
0xdb: {  	[sflag:s11] =	ssyncadd.s32 @!p0 $0xFFFFFF60;
	s11 =	sor.u32 @!p2 $0x100000, s6  }
0xdc: {  	[smem:s11], [sflag:$0x0] =	smem.add.s32 @!p2 $0xCE;
	s11 =	simm.s32 @!p2 $0x0  }
0xdd: {  	s12 =	simm.s32 @!p2 $0x1;
	_ =	swait.done @!p2 [sflag:s11]  }
0xde: {  	s10 =	sshrl.u32 @!p1 s10, $0x3;
	[smem:$0x7FF] =	sst @!p2 s12  }
0xdf: {  	s10 =	sadd.s32 @!p1 s4, s10;
	_ =	sint @!p2 $0x2  }
0xe0: {  	s12 =	simm.s32 @!p1 $0x1500;
	_ =	swait.notdone @!p2 [sflag:s11];
	s11 =	simm.s32 @!p1 $0x0  }
0xe1: {  	[hbm4b:s10+s11] =	stream.linear.scatter @!p1 [tilespmem:s12], [sflag:$0x1], $0xA0, $0x38;
	[tilespmem:$0x2200] =	vst v63  }
0xe2: {  	s10 =	sadd.s32 $0x5A0, s31  }
0xe3: {  	s11 =	sadd.s32 $0xFFFE7F00, s31;
	p0 =	sgt.s32 s10, $0x1869F  }
0xe4: {  	s10 =	smov.u32 @p0 s11  }
0xe5: {  	p2 =	slt.s32 s10, s3  }
0xe6: {  	p3 =	sge.s32 @!p2 s10, s5  }
0xe7: {  	s11 =	simm.s32 @!p1 $0x1;
	p0 =	por p3, p2  }
0xe8: {  	_ =	swait.ge @!p1 [sflag:s11], $0xA0;
	s12 =	sand.u32 @!p0 $0x7, s10  }
0xe9: {  	p4 =	seq.s32 @!p0 s12, $0x0;
	s12 =	sld @!p0 [smem:$0x7FF]  }
0xea: {  	p5 =	por @!p2 p4, p3  }
0xeb: {  	p5 =	por p5, p2  }
0xec: {  	p5 =	sne.s32 @!p5 s12, $0x1  }
0xed: {  	p4 =	por @!p0 !p5, p4  }
0xee: {  	p3 =	por @!p2 p4, p3  }
0xef: {  	[sflag:s11] =	ssyncset.done @!p1 $0x0;
	p2 =	por p3, p2  }
0xf0: {  	[sflag:s11] =	ssyncadd.s32 @!p1 $0xFFFFFF60;
	s11 =	sor.u32 @!p2 $0x100000, s6  }
0xf1: {  	[smem:s11], [sflag:$0x0] =	smem.add.s32 @!p2 $0xDD;
	s11 =	simm.s32 @!p2 $0x0  }
0xf2: {  	s12 =	simm.s32 @!p2 $0x1;
	_ =	swait.done @!p2 [sflag:s11]  }
0xf3: {  	s10 =	sshrl.u32 @!p0 s10, $0x3;
	[smem:$0x7FF] =	sst @!p2 s12  }
0xf4: {  	s10 =	sadd.s32 @!p0 s4, s10;
	_ =	sint @!p2 $0x2  }
0xf5: {  	s12 =	simm.s32 @!p0 $0x15A0;
	_ =	swait.notdone @!p2 [sflag:s11];
	s11 =	simm.s32 @!p0 $0x0  }
0xf6: {  	[hbm4b:s10+s11] =	stream.linear.scatter @!p0 [tilespmem:s12], [sflag:$0x1], $0xA0, $0x38;
	[tilespmem:$0x2200] =	vst v63  }
0xf7: {  	s10 =	sadd.s32 $0x640, s31  }
0xf8: {  	s11 =	sadd.s32 $0xFFFE7FA0, s31;
	p1 =	sgt.s32 s10, $0x1869F  }
0xf9: {  	s10 =	smov.u32 @p1 s11  }
0xfa: {  	p2 =	slt.s32 s10, s3  }
0xfb: {  	p3 =	sge.s32 @!p2 s10, s5  }
0xfc: {  	s11 =	simm.s32 @!p0 $0x1;
	p1 =	por p3, p2  }
0xfd: {  	_ =	swait.ge @!p0 [sflag:s11], $0xA0;
	s12 =	sand.u32 @!p1 $0x7, s10  }
0xfe: {  	p4 =	seq.s32 @!p1 s12, $0x0;
	s12 =	sld @!p1 [smem:$0x7FF]  }
0xff: {  	p5 =	por @!p2 p4, p3  }
0x100: {  	p5 =	por p5, p2  }
0x101: {  	p5 =	sne.s32 @!p5 s12, $0x1  }
0x102: {  	p4 =	por @!p1 !p5, p4  }
0x103: {  	p3 =	por @!p2 p4, p3  }
0x104: {  	[sflag:s11] =	ssyncset.done @!p0 $0x0;
	p2 =	por p3, p2  }
0x105: {  	[sflag:s11] =	ssyncadd.s32 @!p0 $0xFFFFFF60;
	s11 =	sor.u32 @!p2 $0x100000, s6  }
0x106: {  	[smem:s11], [sflag:$0x0] =	smem.add.s32 @!p2 $0xEC;
	s11 =	simm.s32 @!p2 $0x0  }
0x107: {  	s12 =	simm.s32 @!p2 $0x1;
	_ =	swait.done @!p2 [sflag:s11]  }
0x108: {  	s10 =	sshrl.u32 @!p1 s10, $0x3;
	[smem:$0x7FF] =	sst @!p2 s12  }
0x109: {  	s10 =	sadd.s32 @!p1 s4, s10;
	_ =	sint @!p2 $0x2  }
0x10a: {  	s12 =	simm.s32 @!p1 $0x1640;
	_ =	swait.notdone @!p2 [sflag:s11];
	s11 =	simm.s32 @!p1 $0x0  }
0x10b: {  	[hbm4b:s10+s11] =	stream.linear.scatter @!p1 [tilespmem:s12], [sflag:$0x1], $0xA0, $0x38;
	[tilespmem:$0x2200] =	vst v63  }
0x10c: {  	s10 =	sadd.s32 $0x6E0, s31  }
0x10d: {  	s11 =	sadd.s32 $0xFFFE8040, s31;
	p0 =	sgt.s32 s10, $0x1869F  }
0x10e: {  	s10 =	smov.u32 @p0 s11  }
0x10f: {  	p2 =	slt.s32 s10, s3  }
0x110: {  	p3 =	sge.s32 @!p2 s10, s5  }
0x111: {  	s11 =	simm.s32 @!p1 $0x1;
	p0 =	por p3, p2  }
0x112: {  	_ =	swait.ge @!p1 [sflag:s11], $0xA0;
	s12 =	sand.u32 @!p0 $0x7, s10  }
0x113: {  	p4 =	seq.s32 @!p0 s12, $0x0;
	s12 =	sld @!p0 [smem:$0x7FF]  }
0x114: {  	p5 =	por @!p2 p4, p3  }
0x115: {  	p5 =	por p5, p2  }
0x116: {  	p5 =	sne.s32 @!p5 s12, $0x1  }
0x117: {  	p4 =	por @!p0 !p5, p4  }
0x118: {  	p3 =	por @!p2 p4, p3  }
0x119: {  	[sflag:s11] =	ssyncset.done @!p1 $0x0;
	p2 =	por p3, p2  }
0x11a: {  	[sflag:s11] =	ssyncadd.s32 @!p1 $0xFFFFFF60;
	s11 =	sor.u32 @!p2 $0x100000, s6  }
0x11b: {  	[smem:s11], [sflag:$0x0] =	smem.add.s32 @!p2 $0xFB;
	s11 =	simm.s32 @!p2 $0x0  }
0x11c: {  	s12 =	simm.s32 @!p2 $0x1;
	_ =	swait.done @!p2 [sflag:s11]  }
0x11d: {  	s10 =	sshrl.u32 @!p0 s10, $0x3;
	[smem:$0x7FF] =	sst @!p2 s12  }
0x11e: {  	s10 =	sadd.s32 @!p0 s4, s10;
	_ =	sint @!p2 $0x2  }
0x11f: {  	s12 =	simm.s32 @!p0 $0x16E0;
	_ =	swait.notdone @!p2 [sflag:s11];
	s11 =	simm.s32 @!p0 $0x0  }
0x120: {  	[hbm4b:s10+s11] =	stream.linear.scatter @!p0 [tilespmem:s12], [sflag:$0x1], $0xA0, $0x38;
	[tilespmem:$0x2200] =	vst v63  }
0x121: {  	s10 =	sadd.s32 $0x780, s31  }
0x122: {  	s11 =	sadd.s32 $0xFFFE80E0, s31;
	p1 =	sgt.s32 s10, $0x1869F  }
0x123: {  	s10 =	smov.u32 @p1 s11  }
0x124: {  	p2 =	slt.s32 s10, s3  }
0x125: {  	p3 =	sge.s32 @!p2 s10, s5  }
0x126: {  	s11 =	simm.s32 @!p0 $0x1;
	p1 =	por p3, p2  }
0x127: {  	_ =	swait.ge @!p0 [sflag:s11], $0xA0;
	s12 =	sand.u32 @!p1 $0x7, s10  }
0x128: {  	p4 =	seq.s32 @!p1 s12, $0x0;
	s12 =	sld @!p1 [smem:$0x7FF]  }
0x129: {  	p5 =	por @!p2 p4, p3  }
0x12a: {  	p5 =	por p5, p2  }
0x12b: {  	p5 =	sne.s32 @!p5 s12, $0x1  }
0x12c: {  	p4 =	por @!p1 !p5, p4  }
0x12d: {  	p3 =	por @!p2 p4, p3  }
0x12e: {  	[sflag:s11] =	ssyncset.done @!p0 $0x0;
	p2 =	por p3, p2  }
0x12f: {  	[sflag:s11] =	ssyncadd.s32 @!p0 $0xFFFFFF60;
	s11 =	sor.u32 @!p2 $0x100000, s6  }
0x130: {  	[smem:s11], [sflag:$0x0] =	smem.add.s32 @!p2 $0x10A;
	s11 =	simm.s32 @!p2 $0x0  }
0x131: {  	s12 =	simm.s32 @!p2 $0x1;
	_ =	swait.done @!p2 [sflag:s11]  }
0x132: {  	s10 =	sshrl.u32 @!p1 s10, $0x3;
	[smem:$0x7FF] =	sst @!p2 s12  }
0x133: {  	s10 =	sadd.s32 @!p1 s4, s10;
	_ =	sint @!p2 $0x2  }
0x134: {  	s12 =	simm.s32 @!p1 $0x1780;
	_ =	swait.notdone @!p2 [sflag:s11];
	s11 =	simm.s32 @!p1 $0x0  }
0x135: {  	[hbm4b:s10+s11] =	stream.linear.scatter @!p1 [tilespmem:s12], [sflag:$0x1], $0xA0, $0x38;
	[tilespmem:$0x2200] =	vst v63  }
0x136: {  	s10 =	sadd.s32 $0x820, s31  }
0x137: {  	s11 =	sadd.s32 $0xFFFE8180, s31;
	p0 =	sgt.s32 s10, $0x1869F  }
0x138: {  	s10 =	smov.u32 @p0 s11  }
0x139: {  	p2 =	slt.s32 s10, s3  }
0x13a: {  	p3 =	sge.s32 @!p2 s10, s5  }
0x13b: {  	s11 =	simm.s32 @!p1 $0x1;
	p0 =	por p3, p2  }
0x13c: {  	_ =	swait.ge @!p1 [sflag:s11], $0xA0;
	s12 =	sand.u32 @!p0 $0x7, s10  }
0x13d: {  	p4 =	seq.s32 @!p0 s12, $0x0;
	s12 =	sld @!p0 [smem:$0x7FF]  }
0x13e: {  	p5 =	por @!p2 p4, p3  }
0x13f: {  	p5 =	por p5, p2  }
0x140: {  	p5 =	sne.s32 @!p5 s12, $0x1  }
0x141: {  	p4 =	por @!p0 !p5, p4  }
0x142: {  	p3 =	por @!p2 p4, p3  }
0x143: {  	[sflag:s11] =	ssyncset.done @!p1 $0x0;
	p2 =	por p3, p2  }
0x144: {  	[sflag:s11] =	ssyncadd.s32 @!p1 $0xFFFFFF60;
	s11 =	sor.u32 @!p2 $0x100000, s6  }
0x145: {  	[smem:s11], [sflag:$0x0] =	smem.add.s32 @!p2 $0x119;
	s11 =	simm.s32 @!p2 $0x0  }
0x146: {  	s12 =	simm.s32 @!p2 $0x1;
	_ =	swait.done @!p2 [sflag:s11]  }
0x147: {  	s10 =	sshrl.u32 @!p0 s10, $0x3;
	[smem:$0x7FF] =	sst @!p2 s12  }
0x148: {  	s10 =	sadd.s32 @!p0 s4, s10;
	_ =	sint @!p2 $0x2  }
0x149: {  	s12 =	simm.s32 @!p0 $0x1820;
	_ =	swait.notdone @!p2 [sflag:s11];
	s11 =	simm.s32 @!p0 $0x0  }
0x14a: {  	[hbm4b:s10+s11] =	stream.linear.scatter @!p0 [tilespmem:s12], [sflag:$0x1], $0xA0, $0x38;
	[tilespmem:$0x2200] =	vst v63  }
0x14b: {  	s10 =	sadd.s32 $0x8C0, s31  }
0x14c: {  	s11 =	sadd.s32 $0xFFFE8220, s31;
	p1 =	sgt.s32 s10, $0x1869F  }
0x14d: {  	s10 =	smov.u32 @p1 s11  }
0x14e: {  	p2 =	slt.s32 s10, s3  }
0x14f: {  	p3 =	sge.s32 @!p2 s10, s5  }
0x150: {  	s11 =	simm.s32 @!p0 $0x1;
	p1 =	por p3, p2  }
0x151: {  	_ =	swait.ge @!p0 [sflag:s11], $0xA0;
	s12 =	sand.u32 @!p1 $0x7, s10  }
0x152: {  	p4 =	seq.s32 @!p1 s12, $0x0;
	s12 =	sld @!p1 [smem:$0x7FF]  }
0x153: {  	p5 =	por @!p2 p4, p3  }
0x154: {  	p5 =	por p5, p2  }
0x155: {  	p5 =	sne.s32 @!p5 s12, $0x1  }
0x156: {  	p4 =	por @!p1 !p5, p4  }
0x157: {  	p3 =	por @!p2 p4, p3  }
0x158: {  	[sflag:s11] =	ssyncset.done @!p0 $0x0;
	p2 =	por p3, p2  }
0x159: {  	[sflag:s11] =	ssyncadd.s32 @!p0 $0xFFFFFF60;
	s11 =	sor.u32 @!p2 $0x100000, s6  }
0x15a: {  	[smem:s11], [sflag:$0x0] =	smem.add.s32 @!p2 $0x128;
	s11 =	simm.s32 @!p2 $0x0  }
0x15b: {  	s12 =	simm.s32 @!p2 $0x1;
	_ =	swait.done @!p2 [sflag:s11]  }
0x15c: {  	s10 =	sshrl.u32 @!p1 s10, $0x3;
	[smem:$0x7FF] =	sst @!p2 s12  }
0x15d: {  	s10 =	sadd.s32 @!p1 s4, s10;
	_ =	sint @!p2 $0x2  }
0x15e: {  	s12 =	simm.s32 @!p1 $0x18C0;
	_ =	swait.notdone @!p2 [sflag:s11];
	s11 =	simm.s32 @!p1 $0x0  }
0x15f: {  	[hbm4b:s10+s11] =	stream.linear.scatter @!p1 [tilespmem:s12], [sflag:$0x1], $0xA0, $0x38;
	[tilespmem:$0x2200] =	vst v63  }
0x160: {  	s10 =	sadd.s32 $0x960, s31  }
0x161: {  	s11 =	sadd.s32 $0xFFFE82C0, s31;
	p0 =	sgt.s32 s10, $0x1869F  }
0x162: {  	s10 =	smov.u32 @p0 s11  }
0x163: {  	p2 =	slt.s32 s10, s3  }
0x164: {  	p3 =	sge.s32 @!p2 s10, s5  }
0x165: {  	s11 =	simm.s32 @!p1 $0x1;
	p0 =	por p3, p2  }
0x166: {  	_ =	swait.ge @!p1 [sflag:s11], $0xA0;
	s12 =	sand.u32 @!p0 $0x7, s10  }
0x167: {  	p4 =	seq.s32 @!p0 s12, $0x0;
	s12 =	sld @!p0 [smem:$0x7FF]  }
0x168: {  	p5 =	por @!p2 p4, p3  }
0x169: {  	p5 =	por p5, p2  }
0x16a: {  	p5 =	sne.s32 @!p5 s12, $0x1  }
0x16b: {  	p4 =	por @!p0 !p5, p4  }
0x16c: {  	p3 =	por @!p2 p4, p3  }
0x16d: {  	[sflag:s11] =	ssyncset.done @!p1 $0x0;
	p2 =	por p3, p2  }
0x16e: {  	[sflag:s11] =	ssyncadd.s32 @!p1 $0xFFFFFF60;
	s11 =	sor.u32 @!p2 $0x100000, s6  }
0x16f: {  	[smem:s11], [sflag:$0x0] =	smem.add.s32 @!p2 $0x137;
	s11 =	simm.s32 @!p2 $0x0  }
0x170: {  	s12 =	simm.s32 @!p2 $0x1;
	_ =	swait.done @!p2 [sflag:s11]  }
0x171: {  	s10 =	sshrl.u32 @!p0 s10, $0x3;
	[smem:$0x7FF] =	sst @!p2 s12  }
0x172: {  	s10 =	sadd.s32 @!p0 s4, s10;
	_ =	sint @!p2 $0x2  }
0x173: {  	s12 =	simm.s32 @!p0 $0x1960;
	_ =	swait.notdone @!p2 [sflag:s11];
	s11 =	simm.s32 @!p0 $0x0  }
0x174: {  	[hbm4b:s10+s11] =	stream.linear.scatter @!p0 [tilespmem:s12], [sflag:$0x1], $0xA0, $0x38;
	[tilespmem:$0x2200] =	vst v63  }
0x175: {  	s10 =	sadd.s32 $0xA00, s31  }
0x176: {  	s11 =	sadd.s32 $0xFFFE8360, s31;
	p1 =	sgt.s32 s10, $0x1869F  }
0x177: {  	s10 =	smov.u32 @p1 s11  }
0x178: {  	p2 =	slt.s32 s10, s3  }
0x179: {  	p3 =	sge.s32 @!p2 s10, s5  }
0x17a: {  	s11 =	simm.s32 @!p0 $0x1;
	p1 =	por p3, p2  }
0x17b: {  	_ =	swait.ge @!p0 [sflag:s11], $0xA0;
	s12 =	sand.u32 @!p1 $0x7, s10  }
0x17c: {  	p4 =	seq.s32 @!p1 s12, $0x0;
	s12 =	sld @!p1 [smem:$0x7FF]  }
0x17d: {  	p5 =	por @!p2 p4, p3  }
0x17e: {  	p5 =	por p5, p2  }
0x17f: {  	p5 =	sne.s32 @!p5 s12, $0x1  }
0x180: {  	p4 =	por @!p1 !p5, p4  }
0x181: {  	p3 =	por @!p2 p4, p3  }
0x182: {  	[sflag:s11] =	ssyncset.done @!p0 $0x0;
	p2 =	por p3, p2  }
0x183: {  	[sflag:s11] =	ssyncadd.s32 @!p0 $0xFFFFFF60;
	s11 =	sor.u32 @!p2 $0x100000, s6  }
0x184: {  	[smem:s11], [sflag:$0x0] =	smem.add.s32 @!p2 $0x146;
	s11 =	simm.s32 @!p2 $0x0  }
0x185: {  	s12 =	simm.s32 @!p2 $0x1;
	_ =	swait.done @!p2 [sflag:s11]  }
0x186: {  	s10 =	sshrl.u32 @!p1 s10, $0x3;
	[smem:$0x7FF] =	sst @!p2 s12  }
0x187: {  	s10 =	sadd.s32 @!p1 s4, s10;
	_ =	sint @!p2 $0x2  }
0x188: {  	s12 =	simm.s32 @!p1 $0x1A00;
	_ =	swait.notdone @!p2 [sflag:s11];
	s11 =	simm.s32 @!p1 $0x0  }
0x189: {  	[hbm4b:s10+s11] =	stream.linear.scatter @!p1 [tilespmem:s12], [sflag:$0x1], $0xA0, $0x38;
	[tilespmem:$0x2200] =	vst v63  }
0x18a: {  	s10 =	sadd.s32 $0xAA0, s31  }
0x18b: {  	s11 =	sadd.s32 $0xFFFE8400, s31;
	p0 =	sgt.s32 s10, $0x1869F  }
0x18c: {  	s10 =	smov.u32 @p0 s11  }
0x18d: {  	p2 =	slt.s32 s10, s3  }
0x18e: {  	p3 =	sge.s32 @!p2 s10, s5  }
0x18f: {  	s11 =	simm.s32 @!p1 $0x1;
	p0 =	por p3, p2  }
0x190: {  	_ =	swait.ge @!p1 [sflag:s11], $0xA0;
	s12 =	sand.u32 @!p0 $0x7, s10  }
0x191: {  	p4 =	seq.s32 @!p0 s12, $0x0;
	s12 =	sld @!p0 [smem:$0x7FF]  }
0x192: {  	p5 =	por @!p2 p4, p3  }
0x193: {  	p5 =	por p5, p2  }
0x194: {  	p5 =	sne.s32 @!p5 s12, $0x1  }
0x195: {  	p4 =	por @!p0 !p5, p4  }
0x196: {  	p3 =	por @!p2 p4, p3  }
0x197: {  	[sflag:s11] =	ssyncset.done @!p1 $0x0;
	p2 =	por p3, p2  }
0x198: {  	[sflag:s11] =	ssyncadd.s32 @!p1 $0xFFFFFF60;
	s11 =	sor.u32 @!p2 $0x100000, s6  }
0x199: {  	[smem:s11], [sflag:$0x0] =	smem.add.s32 @!p2 $0x155;
	s11 =	simm.s32 @!p2 $0x0  }
0x19a: {  	s12 =	simm.s32 @!p2 $0x1;
	_ =	swait.done @!p2 [sflag:s11]  }
0x19b: {  	s10 =	sshrl.u32 @!p0 s10, $0x3;
	[smem:$0x7FF] =	sst @!p2 s12  }
0x19c: {  	s10 =	sadd.s32 @!p0 s4, s10;
	_ =	sint @!p2 $0x2  }
0x19d: {  	s12 =	simm.s32 @!p0 $0x1AA0;
	_ =	swait.notdone @!p2 [sflag:s11];
	s11 =	simm.s32 @!p0 $0x0  }
0x19e: {  	[hbm4b:s10+s11] =	stream.linear.scatter @!p0 [tilespmem:s12], [sflag:$0x1], $0xA0, $0x38;
	[tilespmem:$0x2200] =	vst v63  }
0x19f: {  	s10 =	sadd.s32 $0xB40, s31  }
0x1a0: {  	s11 =	sadd.s32 $0xFFFE84A0, s31;
	p1 =	sgt.s32 s10, $0x1869F  }
0x1a1: {  	s10 =	smov.u32 @p1 s11  }
0x1a2: {  	p2 =	slt.s32 s10, s3  }
0x1a3: {  	p3 =	sge.s32 @!p2 s10, s5  }
0x1a4: {  	s11 =	simm.s32 @!p0 $0x1;
	p1 =	por p3, p2  }
0x1a5: {  	_ =	swait.ge @!p0 [sflag:s11], $0xA0;
	s12 =	sand.u32 @!p1 $0x7, s10  }
0x1a6: {  	p4 =	seq.s32 @!p1 s12, $0x0;
	s12 =	sld @!p1 [smem:$0x7FF]  }
0x1a7: {  	p5 =	por @!p2 p4, p3  }
0x1a8: {  	p5 =	por p5, p2  }
0x1a9: {  	p5 =	sne.s32 @!p5 s12, $0x1  }
0x1aa: {  	p4 =	por @!p1 !p5, p4  }
0x1ab: {  	p3 =	por @!p2 p4, p3  }
0x1ac: {  	[sflag:s11] =	ssyncset.done @!p0 $0x0;
	p2 =	por p3, p2  }
0x1ad: {  	[sflag:s11] =	ssyncadd.s32 @!p0 $0xFFFFFF60;
	s11 =	sor.u32 @!p2 $0x100000, s6  }
0x1ae: {  	[smem:s11], [sflag:$0x0] =	smem.add.s32 @!p2 $0x164;
	s11 =	simm.s32 @!p2 $0x0  }
0x1af: {  	s12 =	simm.s32 @!p2 $0x1;
	_ =	swait.done @!p2 [sflag:s11]  }
0x1b0: {  	s10 =	sshrl.u32 @!p1 s10, $0x3;
	[smem:$0x7FF] =	sst @!p2 s12  }
0x1b1: {  	s10 =	sadd.s32 @!p1 s4, s10;
	_ =	sint @!p2 $0x2  }
0x1b2: {  	s12 =	simm.s32 @!p1 $0x1B40;
	_ =	swait.notdone @!p2 [sflag:s11];
	s11 =	simm.s32 @!p1 $0x0  }
0x1b3: {  	[hbm4b:s10+s11] =	stream.linear.scatter @!p1 [tilespmem:s12], [sflag:$0x1], $0xA0, $0x38;
	[tilespmem:$0x2200] =	vst v63  }
0x1b4: {  	s10 =	sadd.s32 $0xBE0, s31  }
0x1b5: {  	s11 =	sadd.s32 $0xFFFE8540, s31;
	p0 =	sgt.s32 s10, $0x1869F  }
0x1b6: {  	s10 =	smov.u32 @p0 s11  }
0x1b7: {  	p2 =	slt.s32 s10, s3  }
0x1b8: {  	p3 =	sge.s32 @!p2 s10, s5  }
0x1b9: {  	s11 =	simm.s32 @!p1 $0x1;
	p0 =	por p3, p2  }
0x1ba: {  	_ =	swait.ge @!p1 [sflag:s11], $0xA0;
	s12 =	sand.u32 @!p0 $0x7, s10  }
0x1bb: {  	p4 =	seq.s32 @!p0 s12, $0x0;
	s12 =	sld @!p0 [smem:$0x7FF]  }
0x1bc: {  	p5 =	por @!p2 p4, p3  }
0x1bd: {  	p5 =	por p5, p2  }
0x1be: {  	p5 =	sne.s32 @!p5 s12, $0x1  }
0x1bf: {  	p4 =	por @!p0 !p5, p4  }
0x1c0: {  	p3 =	por @!p2 p4, p3  }
0x1c1: {  	[sflag:s11] =	ssyncset.done @!p1 $0x0;
	p2 =	por p3, p2  }
0x1c2: {  	[sflag:s11] =	ssyncadd.s32 @!p1 $0xFFFFFF60;
	s11 =	sor.u32 @!p2 $0x100000, s6  }
0x1c3: {  	[smem:s11], [sflag:$0x0] =	smem.add.s32 @!p2 $0x173;
	s11 =	simm.s32 @!p2 $0x0  }
0x1c4: {  	s12 =	simm.s32 @!p2 $0x1;
	_ =	swait.done @!p2 [sflag:s11]  }
0x1c5: {  	s10 =	sshrl.u32 @!p0 s10, $0x3;
	[smem:$0x7FF] =	sst @!p2 s12  }
0x1c6: {  	s10 =	sadd.s32 @!p0 s4, s10;
	_ =	sint @!p2 $0x2  }
0x1c7: {  	s12 =	simm.s32 @!p0 $0x1BE0;
	_ =	swait.notdone @!p2 [sflag:s11];
	s11 =	simm.s32 @!p0 $0x0  }
0x1c8: {  	[hbm4b:s10+s11] =	stream.linear.scatter @!p0 [tilespmem:s12], [sflag:$0x1], $0xA0, $0x38;
	[tilespmem:$0x2200] =	vst v63  }
0x1c9: {  	s10 =	sadd.s32 $0xC80, s31  }
0x1ca: {  	s11 =	sadd.s32 $0xFFFE85E0, s31;
	p1 =	sgt.s32 s10, $0x1869F  }
0x1cb: {  	s10 =	smov.u32 @p1 s11  }
0x1cc: {  	p2 =	slt.s32 s10, s3  }
0x1cd: {  	p3 =	sge.s32 @!p2 s10, s5  }
0x1ce: {  	s11 =	simm.s32 @!p0 $0x1;
	p1 =	por p3, p2  }
0x1cf: {  	_ =	swait.ge @!p0 [sflag:s11], $0xA0;
	s12 =	sand.u32 @!p1 $0x7, s10  }
0x1d0: {  	p4 =	seq.s32 @!p1 s12, $0x0;
	s12 =	sld @!p1 [smem:$0x7FF]  }
0x1d1: {  	p5 =	por @!p2 p4, p3  }
0x1d2: {  	p5 =	por p5, p2  }
0x1d3: {  	p5 =	sne.s32 @!p5 s12, $0x1  }
0x1d4: {  	p4 =	por @!p1 !p5, p4  }
0x1d5: {  	p3 =	por @!p2 p4, p3  }
0x1d6: {  	[sflag:s11] =	ssyncset.done @!p0 $0x0;
	p2 =	por p3, p2  }
0x1d7: {  	[sflag:s11] =	ssyncadd.s32 @!p0 $0xFFFFFF60;
	s11 =	sor.u32 @!p2 $0x100000, s6  }
0x1d8: {  	[smem:s11], [sflag:$0x0] =	smem.add.s32 @!p2 $0x182;
	s11 =	simm.s32 @!p2 $0x0  }
0x1d9: {  	s12 =	simm.s32 @!p2 $0x1;
	_ =	swait.done @!p2 [sflag:s11]  }
0x1da: {  	s10 =	sshrl.u32 @!p1 s10, $0x3;
	[smem:$0x7FF] =	sst @!p2 s12  }
0x1db: {  	s10 =	sadd.s32 @!p1 s4, s10;
	_ =	sint @!p2 $0x2  }
0x1dc: {  	s12 =	simm.s32 @!p1 $0x1C80;
	_ =	swait.notdone @!p2 [sflag:s11];
	s11 =	simm.s32 @!p1 $0x0  }
0x1dd: {  	[hbm4b:s10+s11] =	stream.linear.scatter @!p1 [tilespmem:s12], [sflag:$0x1], $0xA0, $0x38;
	[tilespmem:$0x2200] =	vst v63  }
0x1de: {  	s10 =	sadd.s32 $0xD20, s31  }
0x1df: {  	s11 =	sadd.s32 $0xFFFE8680, s31;
	p0 =	sgt.s32 s10, $0x1869F  }
0x1e0: {  	s10 =	smov.u32 @p0 s11  }
0x1e1: {  	p2 =	slt.s32 s10, s3  }
0x1e2: {  	p3 =	sge.s32 @!p2 s10, s5  }
0x1e3: {  	s11 =	simm.s32 @!p1 $0x1;
	p0 =	por p3, p2  }
0x1e4: {  	_ =	swait.ge @!p1 [sflag:s11], $0xA0;
	s12 =	sand.u32 @!p0 $0x7, s10  }
0x1e5: {  	p4 =	seq.s32 @!p0 s12, $0x0;
	s12 =	sld @!p0 [smem:$0x7FF]  }
0x1e6: {  	p5 =	por @!p2 p4, p3  }
0x1e7: {  	p5 =	por p5, p2  }
0x1e8: {  	p5 =	sne.s32 @!p5 s12, $0x1  }
0x1e9: {  	p4 =	por @!p0 !p5, p4  }
0x1ea: {  	p3 =	por @!p2 p4, p3  }
0x1eb: {  	[sflag:s11] =	ssyncset.done @!p1 $0x0;
	p2 =	por p3, p2  }
0x1ec: {  	[sflag:s11] =	ssyncadd.s32 @!p1 $0xFFFFFF60;
	s11 =	sor.u32 @!p2 $0x100000, s6  }
0x1ed: {  	[smem:s11], [sflag:$0x0] =	smem.add.s32 @!p2 $0x191;
	s11 =	simm.s32 @!p2 $0x0  }
0x1ee: {  	s12 =	simm.s32 @!p2 $0x1;
	_ =	swait.done @!p2 [sflag:s11]  }
0x1ef: {  	s10 =	sshrl.u32 @!p0 s10, $0x3;
	[smem:$0x7FF] =	sst @!p2 s12  }
0x1f0: {  	s10 =	sadd.s32 @!p0 s4, s10;
	_ =	sint @!p2 $0x2  }
0x1f1: {  	s12 =	simm.s32 @!p0 $0x1D20;
	_ =	swait.notdone @!p2 [sflag:s11];
	s11 =	simm.s32 @!p0 $0x0  }
0x1f2: {  	[hbm4b:s10+s11] =	stream.linear.scatter @!p0 [tilespmem:s12], [sflag:$0x1], $0xA0, $0x38;
	[tilespmem:$0x2200] =	vst v63  }
0x1f3: {  	s10 =	sadd.s32 $0xDC0, s31  }
0x1f4: {  	s11 =	sadd.s32 $0xFFFE8720, s31;
	p1 =	sgt.s32 s10, $0x1869F  }
0x1f5: {  	s10 =	smov.u32 @p1 s11  }
0x1f6: {  	p2 =	slt.s32 s10, s3  }
0x1f7: {  	p3 =	sge.s32 @!p2 s10, s5  }
0x1f8: {  	s11 =	simm.s32 @!p0 $0x1;
	p1 =	por p3, p2  }
0x1f9: {  	_ =	swait.ge @!p0 [sflag:s11], $0xA0;
	s12 =	sand.u32 @!p1 $0x7, s10  }
0x1fa: {  	p4 =	seq.s32 @!p1 s12, $0x0;
	s12 =	sld @!p1 [smem:$0x7FF]  }
0x1fb: {  	p5 =	por @!p2 p4, p3  }
0x1fc: {  	p5 =	por p5, p2  }
0x1fd: {  	p5 =	sne.s32 @!p5 s12, $0x1  }
0x1fe: {  	p4 =	por @!p1 !p5, p4  }
0x1ff: {  	p3 =	por @!p2 p4, p3  }
0x200: {  	[sflag:s11] =	ssyncset.done @!p0 $0x0;
	p2 =	por p3, p2  }
0x201: {  	[sflag:s11] =	ssyncadd.s32 @!p0 $0xFFFFFF60;
	s11 =	sor.u32 @!p2 $0x100000, s6  }
0x202: {  	[smem:s11], [sflag:$0x0] =	smem.add.s32 @!p2 $0x1A0;
	s11 =	simm.s32 @!p2 $0x0  }
0x203: {  	s12 =	simm.s32 @!p2 $0x1;
	_ =	swait.done @!p2 [sflag:s11]  }
0x204: {  	s10 =	sshrl.u32 @!p1 s10, $0x3;
	[smem:$0x7FF] =	sst @!p2 s12  }
0x205: {  	s10 =	sadd.s32 @!p1 s4, s10;
	_ =	sint @!p2 $0x2  }
0x206: {  	s12 =	simm.s32 @!p1 $0x1DC0;
	_ =	swait.notdone @!p2 [sflag:s11];
	s11 =	simm.s32 @!p1 $0x0  }
0x207: {  	[hbm4b:s10+s11] =	stream.linear.scatter @!p1 [tilespmem:s12], [sflag:$0x1], $0xA0, $0x38;
	[tilespmem:$0x2200] =	vst v63  }
0x208: {  	s10 =	sadd.s32 $0xE60, s31  }
0x209: {  	s11 =	sadd.s32 $0xFFFE87C0, s31;
	p0 =	sgt.s32 s10, $0x1869F  }
0x20a: {  	s10 =	smov.u32 @p0 s11  }
0x20b: {  	p2 =	slt.s32 s10, s3  }
0x20c: {  	p3 =	sge.s32 @!p2 s10, s5  }
0x20d: {  	s11 =	simm.s32 @!p1 $0x1;
	p0 =	por p3, p2  }
0x20e: {  	_ =	swait.ge @!p1 [sflag:s11], $0xA0;
	s12 =	sand.u32 @!p0 $0x7, s10  }
0x20f: {  	p4 =	seq.s32 @!p0 s12, $0x0;
	s12 =	sld @!p0 [smem:$0x7FF]  }
0x210: {  	p5 =	por @!p2 p4, p3  }
0x211: {  	p5 =	por p5, p2  }
0x212: {  	p5 =	sne.s32 @!p5 s12, $0x1  }
0x213: {  	p4 =	por @!p0 !p5, p4  }
0x214: {  	p3 =	por @!p2 p4, p3  }
0x215: {  	[sflag:s11] =	ssyncset.done @!p1 $0x0;
	p2 =	por p3, p2  }
0x216: {  	[sflag:s11] =	ssyncadd.s32 @!p1 $0xFFFFFF60;
	s11 =	sor.u32 @!p2 $0x100000, s6  }
0x217: {  	[smem:s11], [sflag:$0x0] =	smem.add.s32 @!p2 $0x1AF;
	s11 =	simm.s32 @!p2 $0x0  }
0x218: {  	s12 =	simm.s32 @!p2 $0x1;
	_ =	swait.done @!p2 [sflag:s11]  }
0x219: {  	s10 =	sshrl.u32 @!p0 s10, $0x3;
	[smem:$0x7FF] =	sst @!p2 s12  }
0x21a: {  	s10 =	sadd.s32 @!p0 s4, s10;
	_ =	sint @!p2 $0x2  }
0x21b: {  	s12 =	simm.s32 @!p0 $0x1E60;
	_ =	swait.notdone @!p2 [sflag:s11];
	s11 =	simm.s32 @!p0 $0x0  }
0x21c: {  	[hbm4b:s10+s11] =	stream.linear.scatter @!p0 [tilespmem:s12], [sflag:$0x1], $0xA0, $0x38;
	[tilespmem:$0x2200] =	vst v63  }
0x21d: {  	s10 =	sadd.s32 $0xF00, s31  }
0x21e: {  	s11 =	sadd.s32 $0xFFFE8860, s31;
	p1 =	sgt.s32 s10, $0x1869F  }
0x21f: {  	s10 =	smov.u32 @p1 s11  }
0x220: {  	p2 =	slt.s32 s10, s3  }
0x221: {  	p3 =	sge.s32 @!p2 s10, s5  }
0x222: {  	s11 =	simm.s32 @!p0 $0x1;
	p1 =	por p3, p2  }
0x223: {  	_ =	swait.ge @!p0 [sflag:s11], $0xA0;
	s12 =	sand.u32 @!p1 $0x7, s10  }
0x224: {  	p4 =	seq.s32 @!p1 s12, $0x0;
	s12 =	sld @!p1 [smem:$0x7FF]  }
0x225: {  	p5 =	por @!p2 p4, p3  }
0x226: {  	p5 =	por p5, p2  }
0x227: {  	p5 =	sne.s32 @!p5 s12, $0x1  }
0x228: {  	p4 =	por @!p1 !p5, p4  }
0x229: {  	p3 =	por @!p2 p4, p3  }
0x22a: {  	[sflag:s11] =	ssyncset.done @!p0 $0x0;
	p2 =	por p3, p2  }
0x22b: {  	[sflag:s11] =	ssyncadd.s32 @!p0 $0xFFFFFF60;
	s11 =	sor.u32 @!p2 $0x100000, s6  }
0x22c: {  	[smem:s11], [sflag:$0x0] =	smem.add.s32 @!p2 $0x1BE;
	s11 =	simm.s32 @!p2 $0x0  }
0x22d: {  	s12 =	simm.s32 @!p2 $0x1;
	_ =	swait.done @!p2 [sflag:s11]  }
0x22e: {  	s10 =	sshrl.u32 @!p1 s10, $0x3;
	[smem:$0x7FF] =	sst @!p2 s12  }
0x22f: {  	s10 =	sadd.s32 @!p1 s4, s10;
	_ =	sint @!p2 $0x2  }
0x230: {  	s12 =	simm.s32 @!p1 $0x1F00;
	_ =	swait.notdone @!p2 [sflag:s11];
	s11 =	simm.s32 @!p1 $0x0  }
0x231: {  	[hbm4b:s10+s11] =	stream.linear.scatter @!p1 [tilespmem:s12], [sflag:$0x1], $0xA0, $0x38;
	[tilespmem:$0x2200] =	vst v63  }
0x232: {  	s10 =	sadd.s32 $0xFA0, s31  }
0x233: {  	s11 =	sadd.s32 $0xFFFE8900, s31;
	p0 =	sgt.s32 s10, $0x1869F  }
0x234: {  	s10 =	smov.u32 @p0 s11  }
0x235: {  	p2 =	slt.s32 s10, s3  }
0x236: {  	p3 =	sge.s32 @!p2 s10, s5  }
0x237: {  	s11 =	simm.s32 @!p1 $0x1;
	p0 =	por p3, p2  }
0x238: {  	_ =	swait.ge @!p1 [sflag:s11], $0xA0;
	s12 =	sand.u32 @!p0 $0x7, s10  }
0x239: {  	p4 =	seq.s32 @!p0 s12, $0x0;
	s12 =	sld @!p0 [smem:$0x7FF]  }
0x23a: {  	p5 =	por @!p2 p4, p3  }
0x23b: {  	p5 =	por p5, p2  }
0x23c: {  	p5 =	sne.s32 @!p5 s12, $0x1  }
0x23d: {  	p4 =	por @!p0 !p5, p4  }
0x23e: {  	p3 =	por @!p2 p4, p3  }
0x23f: {  	[sflag:s11] =	ssyncset.done @!p1 $0x0;
	p2 =	por p3, p2  }
0x240: {  	[sflag:s11] =	ssyncadd.s32 @!p1 $0xFFFFFF60;
	s11 =	sor.u32 @!p2 $0x100000, s6  }
0x241: {  	[smem:s11], [sflag:$0x0] =	smem.add.s32 @!p2 $0x1CD;
	s11 =	simm.s32 @!p2 $0x0  }
0x242: {  	s12 =	simm.s32 @!p2 $0x1;
	_ =	swait.done @!p2 [sflag:s11]  }
0x243: {  	s10 =	sshrl.u32 @!p0 s10, $0x3;
	[smem:$0x7FF] =	sst @!p2 s12  }
0x244: {  	s10 =	sadd.s32 @!p0 s4, s10;
	_ =	sint @!p2 $0x2  }
0x245: {  	s12 =	simm.s32 @!p0 $0x1FA0;
	_ =	swait.notdone @!p2 [sflag:s11];
	s11 =	simm.s32 @!p0 $0x0  }
0x246: {  	[hbm4b:s10+s11] =	stream.linear.scatter @!p0 [tilespmem:s12], [sflag:$0x1], $0xA0, $0x38;
	[tilespmem:$0x2200] =	vst v63  }
0x247: {  	s10 =	sadd.s32 $0x1040, s31  }
0x248: {  	s9 =	sadd.s32 $0xFFFE89A0, s31;
	p1 =	sgt.s32 s10, $0x1869F  }
0x249: {  	s10 =	smov.u32 @p1 s9  }
0x24a: {  	p2 =	slt.s32 s10, s3  }
0x24b: {  	p3 =	sge.s32 @!p2 s10, s5  }
0x24c: {  	s9 =	simm.s32 @!p0 $0x1;
	p1 =	por p3, p2  }
0x24d: {  	_ =	swait.ge @!p0 [sflag:s9], $0xA0;
	s11 =	sand.u32 @!p1 $0x7, s10  }
0x24e: {  	p4 =	seq.s32 @!p1 s11, $0x0;
	s11 =	sld @!p1 [smem:$0x7FF]  }
0x24f: {  	p5 =	por @!p2 p4, p3  }
0x250: {  	p5 =	por p5, p2  }
0x251: {  	p5 =	sne.s32 @!p5 s11, $0x1  }
0x252: {  	p4 =	por @!p1 !p5, p4  }
0x253: {  	p3 =	por @!p2 p4, p3  }
0x254: {  	[sflag:s9] =	ssyncset.done @!p0 $0x0;
	p2 =	por p3, p2  }
0x255: {  	[sflag:s9] =	ssyncadd.s32 @!p0 $0xFFFFFF60;
	s9 =	sor.u32 @!p2 $0x100000, s6  }
0x256: {  	[smem:s9], [sflag:$0x0] =	smem.add.s32 @!p2 $0x1DC;
	s9 =	simm.s32 @!p2 $0x0  }
0x257: {  	s11 =	simm.s32 @!p2 $0x1;
	_ =	swait.done @!p2 [sflag:s9]  }
0x258: {  	[smem:$0x7FF] =	sst @!p2 s11  }
0x259: {  	s7 =	sadd.s32 $0xFFFFFFFF, s7;
	_ =	sint @!p2 $0x2  }
0x25a: {  	p0 =	sne.s32 s7, $0x0;
	_ =	swait.notdone @!p2 [sflag:s9];
	s9 =	sshrl.u32 @!p1 s10, $0x3  }
0x25b: {  	s11 =	simm.s32 @!p1 $0x2040;
	s10 =	simm.s32 @!p1 $0x0;
	s9 =	sadd.s32 @!p1 s4, s9  }
0x25c: {  	[hbm4b:s9+s10] =	stream.linear.scatter @!p1 [tilespmem:s11], [sflag:$0x1], $0xA0, $0x38;
	[tilespmem:$0x2200] =	vst v63  }
.Ltmp1:
0x25d: {  	_ = 	snop;
	(pc) =	sbr.rel @p0 .LBB2_2-.Ltmp1, $4  }
0x25e: {  	s9 =	simm.s32 @!p1 $0x1  }
0x25f: {  	_ =	swait.ge @!p1 [sflag:s9], $0xA0  }
0x260: {  	[sflag:s9] =	ssyncset.done @!p1 $0x0  }
0x261: {  	[sflag:s9] =	ssyncadd.s32 @!p1 $0xFFFFFF60  }
.LBB2_3:
0x262: {  	_ =	sfence.sel $0x180000  }
0x263: {  	[bflag:$0x0] =	sbarrier.arrive $0xFFFF  }
0x264: {  	p0 =	sne.s32 s0, $0x0;
	_ =	strace $0x90000047  }
0x265: {  	s0 =	sadd.s32 @!p0 $0x100000, s1;
	[bflag:$0x2] =	sbarrier.arrive $0xFFFF  }
0x266: {  	[sflag:s0] =	ssyncadd.tile.s32 @!p0 $0x1;
	_ =	shalt  }
.Lfunc_end2:
_tile_overlayer_lowered:
.L_overlay_start_2:
0x267: {  	(tag) =	ssettag $0x2  }
0x268: {  	s0 =	rddreg [dreg:$0x0];
	s2 =	stileid.u32  }
0x269: {  	s1 =	rddreg [dreg:$0x1];
	p0 =	sne.s32 s2, $0x0  }
0x26a: {  	s3 =	rddreg [dreg:$0x2];
	[bflag:$0x3] =	sbarrier.arrive $0xFFFF;
	s2 =	simm.s32 @!p0 $0x1C01  }
0x26b: {  	[timem:s3], [sflag:s2] =	dma.local @!p0 [hbm:s0], s1  }
0x26c: {  	s0 =	simm.s32 @!p0 $0x1  }
0x26d: {  	_ =	swait.ge @!p0 [sflag:s0], s1  }
0x26e: {  	s1 =	ssub.s32 @!p0 $0x0, s1;
	[sflag:s0] =	ssyncset.done @!p0 $0x0  }
0x26f: {  	[sflag:s0] =	ssyncadd.s32 @!p0 s1  }
0x270: {  	[bflag:$0x3] =	sbarrier.arrive $0xFFFF  }
0x271: {  	_ =	shalt  }

</sc_bundles>
